<compile_context>
chip_gen: v7x
topology: tpu7x:2x2x1
jax: 0.10.2.dev20260603
libtpu: 0.0.44.dev20260713+nightly
codegen_flags: <defaults>
</compile_context>

<pallas_src>
import jax
import jax.numpy as jnp
from jax import lax
from jax.experimental import pallas as pl
from jax.experimental.pallas import tpu as pltpu
from jax.experimental.pallas import tpu_sc as plsc

_D = 64
_B = 16384
_NC = 2
_NS = 16
_NW = _NC * _NS
_BW = _B // _NW
_BATCH = 32
_NB = _BW // _BATCH


def _gather_body(table_hbm, idx_hbm, out_hbm, idx_v, sem):
    wid = lax.axis_index("s") * _NC + lax.axis_index("c")
    base = wid * _BW
    pltpu.sync_copy(idx_hbm.at[pl.ds(base, _BW)], idx_v)

    def batch(g, carry):
        for h in range(_BATCH // 16):
            vec = idx_v[pl.ds(g * _BATCH + h * 16, 16)]
            for j in range(16):
                i = g * _BATCH + h * 16 + j
                pltpu.async_copy(
                    table_hbm.at[pl.ds(vec[j], 1)],
                    out_hbm.at[pl.ds(base + i, 1)],
                    sem,
                )
        pltpu.make_async_copy(
            table_hbm.at[pl.ds(0, _BATCH)],
            out_hbm.at[pl.ds(base + g * _BATCH, _BATCH)],
            sem,
        ).wait()
        return carry

    lax.fori_loop(0, _NB, batch, 0)


_gather = pl.kernel(
    _gather_body,
    mesh=plsc.VectorSubcoreMesh(core_axis_name="c", subcore_axis_name="s"),
    out_type=jax.ShapeDtypeStruct((_B, _D), jnp.float32),
    scratch_types=[
        pltpu.VMEM((_BW,), jnp.int32),
        pltpu.SemaphoreType.DMA,
    ],
)


def kernel(node_vecs, country_idx):
    idx = country_idx.reshape(_B).astype(jnp.int32)
    return _gather(node_vecs, idx)

# --- scband reference (transcript-rebuilt; emitter-appended) ---
"""Pipeline reference for scband-country-embedding-lookup-70119636074984 (READ-ONLY COPY).

The authoritative reference and input builder live on the scoring server;
editing this copy changes nothing except your own understanding.
"""

import jax, jax.numpy as jnp
import numpy as np

def setup_inputs(seed: int = 0) -> dict:
    key = jax.random.key(seed)
    k1, k2 = jax.random.split(key)
    node_vecs = jax.random.normal(k1, (1000000, 64), dtype=jnp.float32)
    country_idx = jax.random.randint(k2, (16384, 1), 0, 1000000, dtype=jnp.int64 if jax.config.jax_enable_x64 else jnp.int32)
    return {"node_vecs": node_vecs, "country_idx": country_idx}

def reference(node_vecs, country_idx):
    # tf.squeeze(country_idx, axis=-1) then tf.gather(node_vecs, idx)
    country_idx_flat = jnp.squeeze(country_idx, axis=-1)
    result = jnp.take(node_vecs, country_idx_flat, axis=0)
    return result

if __name__ == "__main__":
    import jax
    _d = setup_inputs()
    print(jax.jit(kernel)(*tuple(_d.values())))

</pallas_src>

<mosaic_0001>
#map = affine_map<(d0, d1) -> (0, 0)>
#map1 = affine_map<(d0, d1) -> (0)>
module attributes {stable_mosaic.version = 14 : i64} {
  func.func @_gather_body(%arg0: i32, %arg1: i32, %arg2: memref<1000000x64xf32, #tpu.memory_space<hbm>>, %arg3: memref<16384xi32, #tpu.memory_space<hbm>>, %arg4: memref<16384x64xf32, #tpu.memory_space<hbm>>, %arg5: memref<512xi32, #tpu.memory_space<vmem>>, %arg6: memref<!tpu.dma_semaphore, #tpu.memory_space<semaphore_mem>>) attributes {dimension_semantics = [#tpu.dimension_semantics<core_parallel>, #tpu.dimension_semantics<subcore_parallel>], iteration_bounds = array<i64: 2, 16>, scalar_prefetch = 0 : i64, scratch_operands = 2 : i64, tpu.core_type = #tpu.core_type<sc_vector_subcore>, window_params = [{transform_indices = #map}, {transform_indices = #map1}, {transform_indices = #map}]} {
    %mul3A = arith.constant 2 : i32
    %mul3A_0 = arith.muli %arg1, %mul3A : i32
    %add3A = arith.addi %mul3A_0, %arg0 : i32
    %mul3A_1 = arith.constant 512 : i32
    %mul3A_2 = arith.muli %add3A, %mul3A_1 : i32
    "tpu.region"() ({
      %run_scoped3A = tpu.sem_alloc : memref<!tpu.dma_semaphore, #tpu.memory_space<semaphore_mem>>
      %dma_start3A = tpu.memref_slice %arg3[%mul3A_2] : memref<16384xi32, #tpu.memory_space<hbm>> -> memref<512xi32, #tpu.memory_space<hbm>>
      %dma_start3A_8 = tpu.memref_slice %arg3[%mul3A_2] : memref<16384xi32, #tpu.memory_space<hbm>> -> memref<512xi32, #tpu.memory_space<hbm>>
      tpu.enqueue_dma source(%dma_start3A_8 : memref<512xi32, #tpu.memory_space<hbm>>) target(%arg5 : memref<512xi32, #tpu.memory_space<vmem>>) target_semaphore(%run_scoped3A : memref<!tpu.dma_semaphore, #tpu.memory_space<semaphore_mem>>)
      %dma_wait3A = tpu.memref_slice %arg3[%mul3A_2] : memref<16384xi32, #tpu.memory_space<hbm>> -> memref<512xi32, #tpu.memory_space<hbm>>
      %dma_wait3A_9 = tpu.memref_slice %arg3[%mul3A_2] : memref<16384xi32, #tpu.memory_space<hbm>> -> memref<512xi32, #tpu.memory_space<hbm>>
      tpu.wait_dma2 semaphore(%run_scoped3A : memref<!tpu.dma_semaphore, #tpu.memory_space<semaphore_mem>>) src(%dma_wait3A_9 : memref<512xi32, #tpu.memory_space<hbm>>) dst(%arg5 : memref<512xi32, #tpu.memory_space<vmem>>)
      tpu.yield
    }) : () -> ()
    %scan3A = arith.constant 0 : i32
    %scan3A_3 = arith.constant 0 : i32
    %scan3A_4 = arith.constant 16 : i32
    %scan3A_5 = arith.addi %scan3A_3, %scan3A_4 : i32
    %scan3A_6 = arith.constant 1 : i32
    scf.for %scan3A_8 = %scan3A_3 to %scan3A_5 step %scan3A_6  : i32 {
      %mul3A_9 = arith.constant 32 : i32
      %mul3A_10 = arith.muli %scan3A_8, %mul3A_9 : i32
      %add3A_11 = arith.constant 0 : i32
      %add3A_12 = arith.addi %mul3A_10, %add3A_11 : i32
      %get3A = arith.index_cast %add3A_12 : i32 to index
      %get3A_13 = tpu.vector_load %arg5[%get3A] {strides = array<i32>} : memref<512xi32, #tpu.memory_space<vmem>>, vector<16xi32>,
      %get3A_14 = vector.shape_cast %get3A_13 : vector<16xi32> to vector<16xi32>
      %mul3A_15 = arith.constant 32 : i32
      %mul3A_16 = arith.muli %scan3A_8, %mul3A_15 : i32
      %add3A_17 = arith.constant 0 : i32
      %add3A_18 = arith.addi %mul3A_16, %add3A_17 : i32
      %add3A_19 = arith.constant 0 : i32
      %add3A_20 = arith.addi %add3A_18, %add3A_19 : i32
      %slice3A = vector.extract_strided_slice %get3A_14 {offsets = [0], sizes = [1], strides = [1]} : vector<16xi32> to vector<1xi32>
      %squeeze3A = vector.extract %slice3A[0] : i32 from vector<1xi32>
      %add3A_21 = arith.addi %mul3A_2, %add3A_20 : i32
      %dma_start3A = arith.constant 0 : i32
      %dma_start3A_22 = tpu.memref_slice %arg4[%add3A_21, %dma_start3A] : memref<16384x64xf32, #tpu.memory_space<hbm>> -> memref<1x64xf32, #tpu.memory_space<hbm>>
      %dma_start3A_23 = arith.constant 0 : i32
      %dma_start3A_24 = tpu.memref_slice %arg2[%squeeze3A, %dma_start3A_23] : memref<1000000x64xf32, #tpu.memory_space<hbm>> -> memref<1x64xf32, #tpu.memory_space<hbm>>
      tpu.enqueue_dma source(%dma_start3A_24 : memref<1x64xf32, #tpu.memory_space<hbm>>) target(%dma_start3A_22 : memref<1x64xf32, #tpu.memory_space<hbm>>) target_semaphore(%arg6 : memref<!tpu.dma_semaphore, #tpu.memory_space<semaphore_mem>>)
      %mul3A_25 = arith.constant 32 : i32
      %mul3A_26 = arith.muli %scan3A_8, %mul3A_25 : i32
      %add3A_27 = arith.constant 0 : i32
      %add3A_28 = arith.addi %mul3A_26, %add3A_27 : i32
      %add3A_29 = arith.constant 1 : i32
      %add3A_30 = arith.addi %add3A_28, %add3A_29 : i32
      %slice3A_31 = vector.extract_strided_slice %get3A_14 {offsets = [1], sizes = [1], strides = [1]} : vector<16xi32> to vector<1xi32>
      %squeeze3A_32 = vector.extract %slice3A_31[0] : i32 from vector<1xi32>
      %add3A_33 = arith.addi %mul3A_2, %add3A_30 : i32
      %dma_start3A_34 = arith.constant 0 : i32
      %dma_start3A_35 = tpu.memref_slice %arg4[%add3A_33, %dma_start3A_34] : memref<16384x64xf32, #tpu.memory_space<hbm>> -> memref<1x64xf32, #tpu.memory_space<hbm>>
      %dma_start3A_36 = arith.constant 0 : i32
      %dma_start3A_37 = tpu.memref_slice %arg2[%squeeze3A_32, %dma_start3A_36] : memref<1000000x64xf32, #tpu.memory_space<hbm>> -> memref<1x64xf32, #tpu.memory_space<hbm>>
      tpu.enqueue_dma source(%dma_start3A_37 : memref<1x64xf32, #tpu.memory_space<hbm>>) target(%dma_start3A_35 : memref<1x64xf32, #tpu.memory_space<hbm>>) target_semaphore(%arg6 : memref<!tpu.dma_semaphore, #tpu.memory_space<semaphore_mem>>)
      %mul3A_38 = arith.constant 32 : i32
      %mul3A_39 = arith.muli %scan3A_8, %mul3A_38 : i32
      %add3A_40 = arith.constant 0 : i32
      %add3A_41 = arith.addi %mul3A_39, %add3A_40 : i32
      %add3A_42 = arith.constant 2 : i32
      %add3A_43 = arith.addi %add3A_41, %add3A_42 : i32
      %slice3A_44 = vector.extract_strided_slice %get3A_14 {offsets = [2], sizes = [1], strides = [1]} : vector<16xi32> to vector<1xi32>
      %squeeze3A_45 = vector.extract %slice3A_44[0] : i32 from vector<1xi32>
      %add3A_46 = arith.addi %mul3A_2, %add3A_43 : i32
      %dma_start3A_47 = arith.constant 0 : i32
      %dma_start3A_48 = tpu.memref_slice %arg4[%add3A_46, %dma_start3A_47] : memref<16384x64xf32, #tpu.memory_space<hbm>> -> memref<1x64xf32, #tpu.memory_space<hbm>>
      %dma_start3A_49 = arith.constant 0 : i32
      %dma_start3A_50 = tpu.memref_slice %arg2[%squeeze3A_45, %dma_start3A_49] : memref<1000000x64xf32, #tpu.memory_space<hbm>> -> memref<1x64xf32, #tpu.memory_space<hbm>>
      tpu.enqueue_dma source(%dma_start3A_50 : memref<1x64xf32, #tpu.memory_space<hbm>>) target(%dma_start3A_48 : memref<1x64xf32, #tpu.memory_space<hbm>>) target_semaphore(%arg6 : memref<!tpu.dma_semaphore, #tpu.memory_space<semaphore_mem>>)
      %mul3A_51 = arith.constant 32 : i32
      %mul3A_52 = arith.muli %scan3A_8, %mul3A_51 : i32
      %add3A_53 = arith.constant 0 : i32
      %add3A_54 = arith.addi %mul3A_52, %add3A_53 : i32
      %add3A_55 = arith.constant 3 : i32
      %add3A_56 = arith.addi %add3A_54, %add3A_55 : i32
      %slice3A_57 = vector.extract_strided_slice %get3A_14 {offsets = [3], sizes = [1], strides = [1]} : vector<16xi32> to vector<1xi32>
      %squeeze3A_58 = vector.extract %slice3A_57[0] : i32 from vector<1xi32>
      %add3A_59 = arith.addi %mul3A_2, %add3A_56 : i32
      %dma_start3A_60 = arith.constant 0 : i32
      %dma_start3A_61 = tpu.memref_slice %arg4[%add3A_59, %dma_start3A_60] : memref<16384x64xf32, #tpu.memory_space<hbm>> -> memref<1x64xf32, #tpu.memory_space<hbm>>
      %dma_start3A_62 = arith.constant 0 : i32
      %dma_start3A_63 = tpu.memref_slice %arg2[%squeeze3A_58, %dma_start3A_62] : memref<1000000x64xf32, #tpu.memory_space<hbm>> -> memref<1x64xf32, #tpu.memory_space<hbm>>
      tpu.enqueue_dma source(%dma_start3A_63 : memref<1x64xf32, #tpu.memory_space<hbm>>) target(%dma_start3A_61 : memref<1x64xf32, #tpu.memory_space<hbm>>) target_semaphore(%arg6 : memref<!tpu.dma_semaphore, #tpu.memory_space<semaphore_mem>>)
      %mul3A_64 = arith.constant 32 : i32
      %mul3A_65 = arith.muli %scan3A_8, %mul3A_64 : i32
      %add3A_66 = arith.constant 0 : i32
      %add3A_67 = arith.addi %mul3A_65, %add3A_66 : i32
      %add3A_68 = arith.constant 4 : i32
      %add3A_69 = arith.addi %add3A_67, %add3A_68 : i32
      %slice3A_70 = vector.extract_strided_slice %get3A_14 {offsets = [4], sizes = [1], strides = [1]} : vector<16xi32> to vector<1xi32>
      %squeeze3A_71 = vector.extract %slice3A_70[0] : i32 from vector<1xi32>
      %add3A_72 = arith.addi %mul3A_2, %add3A_69 : i32
      %dma_start3A_73 = arith.constant 0 : i32
      %dma_start3A_74 = tpu.memref_slice %arg4[%add3A_72, %dma_start3A_73] : memref<16384x64xf32, #tpu.memory_space<hbm>> -> memref<1x64xf32, #tpu.memory_space<hbm>>
      %dma_start3A_75 = arith.constant 0 : i32
      %dma_start3A_76 = tpu.memref_slice %arg2[%squeeze3A_71, %dma_start3A_75] : memref<1000000x64xf32, #tpu.memory_space<hbm>> -> memref<1x64xf32, #tpu.memory_space<hbm>>
      tpu.enqueue_dma source(%dma_start3A_76 : memref<1x64xf32, #tpu.memory_space<hbm>>) target(%dma_start3A_74 : memref<1x64xf32, #tpu.memory_space<hbm>>) target_semaphore(%arg6 : memref<!tpu.dma_semaphore, #tpu.memory_space<semaphore_mem>>)
      %mul3A_77 = arith.constant 32 : i32
      %mul3A_78 = arith.muli %scan3A_8, %mul3A_77 : i32
      %add3A_79 = arith.constant 0 : i32
      %add3A_80 = arith.addi %mul3A_78, %add3A_79 : i32
      %add3A_81 = arith.constant 5 : i32
      %add3A_82 = arith.addi %add3A_80, %add3A_81 : i32
      %slice3A_83 = vector.extract_strided_slice %get3A_14 {offsets = [5], sizes = [1], strides = [1]} : vector<16xi32> to vector<1xi32>
      %squeeze3A_84 = vector.extract %slice3A_83[0] : i32 from vector<1xi32>
      %add3A_85 = arith.addi %mul3A_2, %add3A_82 : i32
      %dma_start3A_86 = arith.constant 0 : i32
      %dma_start3A_87 = tpu.memref_slice %arg4[%add3A_85, %dma_start3A_86] : memref<16384x64xf32, #tpu.memory_space<hbm>> -> memref<1x64xf32, #tpu.memory_space<hbm>>
      %dma_start3A_88 = arith.constant 0 : i32
      %dma_start3A_89 = tpu.memref_slice %arg2[%squeeze3A_84, %dma_start3A_88] : memref<1000000x64xf32, #tpu.memory_space<hbm>> -> memref<1x64xf32, #tpu.memory_space<hbm>>
      tpu.enqueue_dma source(%dma_start3A_89 : memref<1x64xf32, #tpu.memory_space<hbm>>) target(%dma_start3A_87 : memref<1x64xf32, #tpu.memory_space<hbm>>) target_semaphore(%arg6 : memref<!tpu.dma_semaphore, #tpu.memory_space<semaphore_mem>>)
      %mul3A_90 = arith.constant 32 : i32
      %mul3A_91 = arith.muli %scan3A_8, %mul3A_90 : i32
      %add3A_92 = arith.constant 0 : i32
      %add3A_93 = arith.addi %mul3A_91, %add3A_92 : i32
      %add3A_94 = arith.constant 6 : i32
      %add3A_95 = arith.addi %add3A_93, %add3A_94 : i32
      %slice3A_96 = vector.extract_strided_slice %get3A_14 {offsets = [6], sizes = [1], strides = [1]} : vector<16xi32> to vector<1xi32>
      %squeeze3A_97 = vector.extract %slice3A_96[0] : i32 from vector<1xi32>
      %add3A_98 = arith.addi %mul3A_2, %add3A_95 : i32
      %dma_start3A_99 = arith.constant 0 : i32
      %dma_start3A_100 = tpu.memref_slice %arg4[%add3A_98, %dma_start3A_99] : memref<16384x64xf32, #tpu.memory_space<hbm>> -> memref<1x64xf32, #tpu.memory_space<hbm>>
      %dma_start3A_101 = arith.constant 0 : i32
      %dma_start3A_102 = tpu.memref_slice %arg2[%squeeze3A_97, %dma_start3A_101] : memref<1000000x64xf32, #tpu.memory_space<hbm>> -> memref<1x64xf32, #tpu.memory_space<hbm>>
      tpu.enqueue_dma source(%dma_start3A_102 : memref<1x64xf32, #tpu.memory_space<hbm>>) target(%dma_start3A_100 : memref<1x64xf32, #tpu.memory_space<hbm>>) target_semaphore(%arg6 : memref<!tpu.dma_semaphore, #tpu.memory_space<semaphore_mem>>)
      %mul3A_103 = arith.constant 32 : i32
      %mul3A_104 = arith.muli %scan3A_8, %mul3A_103 : i32
      %add3A_105 = arith.constant 0 : i32
      %add3A_106 = arith.addi %mul3A_104, %add3A_105 : i32
      %add3A_107 = arith.constant 7 : i32
      %add3A_108 = arith.addi %add3A_106, %add3A_107 : i32
      %slice3A_109 = vector.extract_strided_slice %get3A_14 {offsets = [7], sizes = [1], strides = [1]} : vector<16xi32> to vector<1xi32>
      %squeeze3A_110 = vector.extract %slice3A_109[0] : i32 from vector<1xi32>
      %add3A_111 = arith.addi %mul3A_2, %add3A_108 : i32
      %dma_start3A_112 = arith.constant 0 : i32
      %dma_start3A_113 = tpu.memref_slice %arg4[%add3A_111, %dma_start3A_112] : memref<16384x64xf32, #tpu.memory_space<hbm>> -> memref<1x64xf32, #tpu.memory_space<hbm>>
      %dma_start3A_114 = arith.constant 0 : i32
      %dma_start3A_115 = tpu.memref_slice %arg2[%squeeze3A_110, %dma_start3A_114] : memref<1000000x64xf32, #tpu.memory_space<hbm>> -> memref<1x64xf32, #tpu.memory_space<hbm>>
      tpu.enqueue_dma source(%dma_start3A_115 : memref<1x64xf32, #tpu.memory_space<hbm>>) target(%dma_start3A_113 : memref<1x64xf32, #tpu.memory_space<hbm>>) target_semaphore(%arg6 : memref<!tpu.dma_semaphore, #tpu.memory_space<semaphore_mem>>)
      %mul3A_116 = arith.constant 32 : i32
      %mul3A_117 = arith.muli %scan3A_8, %mul3A_116 : i32
      %add3A_118 = arith.constant 0 : i32
      %add3A_119 = arith.addi %mul3A_117, %add3A_118 : i32
      %add3A_120 = arith.constant 8 : i32
      %add3A_121 = arith.addi %add3A_119, %add3A_120 : i32
      %slice3A_122 = vector.extract_strided_slice %get3A_14 {offsets = [8], sizes = [1], strides = [1]} : vector<16xi32> to vector<1xi32>
      %squeeze3A_123 = vector.extract %slice3A_122[0] : i32 from vector<1xi32>
      %add3A_124 = arith.addi %mul3A_2, %add3A_121 : i32
      %dma_start3A_125 = arith.constant 0 : i32
      %dma_start3A_126 = tpu.memref_slice %arg4[%add3A_124, %dma_start3A_125] : memref<16384x64xf32, #tpu.memory_space<hbm>> -> memref<1x64xf32, #tpu.memory_space<hbm>>
      %dma_start3A_127 = arith.constant 0 : i32
      %dma_start3A_128 = tpu.memref_slice %arg2[%squeeze3A_123, %dma_start3A_127] : memref<1000000x64xf32, #tpu.memory_space<hbm>> -> memref<1x64xf32, #tpu.memory_space<hbm>>
      tpu.enqueue_dma source(%dma_start3A_128 : memref<1x64xf32, #tpu.memory_space<hbm>>) target(%dma_start3A_126 : memref<1x64xf32, #tpu.memory_space<hbm>>) target_semaphore(%arg6 : memref<!tpu.dma_semaphore, #tpu.memory_space<semaphore_mem>>)
      %mul3A_129 = arith.constant 32 : i32
      %mul3A_130 = arith.muli %scan3A_8, %mul3A_129 : i32
      %add3A_131 = arith.constant 0 : i32
      %add3A_132 = arith.addi %mul3A_130, %add3A_131 : i32
      %add3A_133 = arith.constant 9 : i32
      %add3A_134 = arith.addi %add3A_132, %add3A_133 : i32
      %slice3A_135 = vector.extract_strided_slice %get3A_14 {offsets = [9], sizes = [1], strides = [1]} : vector<16xi32> to vector<1xi32>
      %squeeze3A_136 = vector.extract %slice3A_135[0] : i32 from vector<1xi32>
      %add3A_137 = arith.addi %mul3A_2, %add3A_134 : i32
      %dma_start3A_138 = arith.constant 0 : i32
      %dma_start3A_139 = tpu.memref_slice %arg4[%add3A_137, %dma_start3A_138] : memref<16384x64xf32, #tpu.memory_space<hbm>> -> memref<1x64xf32, #tpu.memory_space<hbm>>
      %dma_start3A_140 = arith.constant 0 : i32
      %dma_start3A_141 = tpu.memref_slice %arg2[%squeeze3A_136, %dma_start3A_140] : memref<1000000x64xf32, #tpu.memory_space<hbm>> -> memref<1x64xf32, #tpu.memory_space<hbm>>
      tpu.enqueue_dma source(%dma_start3A_141 : memref<1x64xf32, #tpu.memory_space<hbm>>) target(%dma_start3A_139 : memref<1x64xf32, #tpu.memory_space<hbm>>) target_semaphore(%arg6 : memref<!tpu.dma_semaphore, #tpu.memory_space<semaphore_mem>>)
      %mul3A_142 = arith.constant 32 : i32
      %mul3A_143 = arith.muli %scan3A_8, %mul3A_142 : i32
      %add3A_144 = arith.constant 0 : i32
      %add3A_145 = arith.addi %mul3A_143, %add3A_144 : i32
      %add3A_146 = arith.constant 10 : i32
      %add3A_147 = arith.addi %add3A_145, %add3A_146 : i32
      %slice3A_148 = vector.extract_strided_slice %get3A_14 {offsets = [10], sizes = [1], strides = [1]} : vector<16xi32> to vector<1xi32>
      %squeeze3A_149 = vector.extract %slice3A_148[0] : i32 from vector<1xi32>
      %add3A_150 = arith.addi %mul3A_2, %add3A_147 : i32
      %dma_start3A_151 = arith.constant 0 : i32
      %dma_start3A_152 = tpu.memref_slice %arg4[%add3A_150, %dma_start3A_151] : memref<16384x64xf32, #tpu.memory_space<hbm>> -> memref<1x64xf32, #tpu.memory_space<hbm>>
      %dma_start3A_153 = arith.constant 0 : i32
      %dma_start3A_154 = tpu.memref_slice %arg2[%squeeze3A_149, %dma_start3A_153] : memref<1000000x64xf32, #tpu.memory_space<hbm>> -> memref<1x64xf32, #tpu.memory_space<hbm>>
      tpu.enqueue_dma source(%dma_start3A_154 : memref<1x64xf32, #tpu.memory_space<hbm>>) target(%dma_start3A_152 : memref<1x64xf32, #tpu.memory_space<hbm>>) target_semaphore(%arg6 : memref<!tpu.dma_semaphore, #tpu.memory_space<semaphore_mem>>)
      %mul3A_155 = arith.constant 32 : i32
      %mul3A_156 = arith.muli %scan3A_8, %mul3A_155 : i32
      %add3A_157 = arith.constant 0 : i32
      %add3A_158 = arith.addi %mul3A_156, %add3A_157 : i32
      %add3A_159 = arith.constant 11 : i32
      %add3A_160 = arith.addi %add3A_158, %add3A_159 : i32
      %slice3A_161 = vector.extract_strided_slice %get3A_14 {offsets = [11], sizes = [1], strides = [1]} : vector<16xi32> to vector<1xi32>
      %squeeze3A_162 = vector.extract %slice3A_161[0] : i32 from vector<1xi32>
      %add3A_163 = arith.addi %mul3A_2, %add3A_160 : i32
      %dma_start3A_164 = arith.constant 0 : i32
      %dma_start3A_165 = tpu.memref_slice %arg4[%add3A_163, %dma_start3A_164] : memref<16384x64xf32, #tpu.memory_space<hbm>> -> memref<1x64xf32, #tpu.memory_space<hbm>>
      %dma_start3A_166 = arith.constant 0 : i32
      %dma_start3A_167 = tpu.memref_slice %arg2[%squeeze3A_162, %dma_start3A_166] : memref<1000000x64xf32, #tpu.memory_space<hbm>> -> memref<1x64xf32, #tpu.memory_space<hbm>>
      tpu.enqueue_dma source(%dma_start3A_167 : memref<1x64xf32, #tpu.memory_space<hbm>>) target(%dma_start3A_165 : memref<1x64xf32, #tpu.memory_space<hbm>>) target_semaphore(%arg6 : memref<!tpu.dma_semaphore, #tpu.memory_space<semaphore_mem>>)
      %mul3A_168 = arith.constant 32 : i32
      %mul3A_169 = arith.muli %scan3A_8, %mul3A_168 : i32
      %add3A_170 = arith.constant 0 : i32
      %add3A_171 = arith.addi %mul3A_169, %add3A_170 : i32
      %add3A_172 = arith.constant 12 : i32
      %add3A_173 = arith.addi %add3A_171, %add3A_172 : i32
      %slice3A_174 = vector.extract_strided_slice %get3A_14 {offsets = [12], sizes = [1], strides = [1]} : vector<16xi32> to vector<1xi32>
      %squeeze3A_175 = vector.extract %slice3A_174[0] : i32 from vector<1xi32>
      %add3A_176 = arith.addi %mul3A_2, %add3A_173 : i32
      %dma_start3A_177 = arith.constant 0 : i32
      %dma_start3A_178 = tpu.memref_slice %arg4[%add3A_176, %dma_start3A_177] : memref<16384x64xf32, #tpu.memory_space<hbm>> -> memref<1x64xf32, #tpu.memory_space<hbm>>
      %dma_start3A_179 = arith.constant 0 : i32
      %dma_start3A_180 = tpu.memref_slice %arg2[%squeeze3A_175, %dma_start3A_179] : memref<1000000x64xf32, #tpu.memory_space<hbm>> -> memref<1x64xf32, #tpu.memory_space<hbm>>
      tpu.enqueue_dma source(%dma_start3A_180 : memref<1x64xf32, #tpu.memory_space<hbm>>) target(%dma_start3A_178 : memref<1x64xf32, #tpu.memory_space<hbm>>) target_semaphore(%arg6 : memref<!tpu.dma_semaphore, #tpu.memory_space<semaphore_mem>>)
      %mul3A_181 = arith.constant 32 : i32
      %mul3A_182 = arith.muli %scan3A_8, %mul3A_181 : i32
      %add3A_183 = arith.constant 0 : i32
      %add3A_184 = arith.addi %mul3A_182, %add3A_183 : i32
      %add3A_185 = arith.constant 13 : i32
      %add3A_186 = arith.addi %add3A_184, %add3A_185 : i32
      %slice3A_187 = vector.extract_strided_slice %get3A_14 {offsets = [13], sizes = [1], strides = [1]} : vector<16xi32> to vector<1xi32>
      %squeeze3A_188 = vector.extract %slice3A_187[0] : i32 from vector<1xi32>
      %add3A_189 = arith.addi %mul3A_2, %add3A_186 : i32
      %dma_start3A_190 = arith.constant 0 : i32
      %dma_start3A_191 = tpu.memref_slice %arg4[%add3A_189, %dma_start3A_190] : memref<16384x64xf32, #tpu.memory_space<hbm>> -> memref<1x64xf32, #tpu.memory_space<hbm>>
      %dma_start3A_192 = arith.constant 0 : i32
      %dma_start3A_193 = tpu.memref_slice %arg2[%squeeze3A_188, %dma_start3A_192] : memref<1000000x64xf32, #tpu.memory_space<hbm>> -> memref<1x64xf32, #tpu.memory_space<hbm>>
      tpu.enqueue_dma source(%dma_start3A_193 : memref<1x64xf32, #tpu.memory_space<hbm>>) target(%dma_start3A_191 : memref<1x64xf32, #tpu.memory_space<hbm>>) target_semaphore(%arg6 : memref<!tpu.dma_semaphore, #tpu.memory_space<semaphore_mem>>)
      %mul3A_194 = arith.constant 32 : i32
      %mul3A_195 = arith.muli %scan3A_8, %mul3A_194 : i32
      %add3A_196 = arith.constant 0 : i32
      %add3A_197 = arith.addi %mul3A_195, %add3A_196 : i32
      %add3A_198 = arith.constant 14 : i32
      %add3A_199 = arith.addi %add3A_197, %add3A_198 : i32
      %slice3A_200 = vector.extract_strided_slice %get3A_14 {offsets = [14], sizes = [1], strides = [1]} : vector<16xi32> to vector<1xi32>
      %squeeze3A_201 = vector.extract %slice3A_200[0] : i32 from vector<1xi32>
      %add3A_202 = arith.addi %mul3A_2, %add3A_199 : i32
      %dma_start3A_203 = arith.constant 0 : i32
      %dma_start3A_204 = tpu.memref_slice %arg4[%add3A_202, %dma_start3A_203] : memref<16384x64xf32, #tpu.memory_space<hbm>> -> memref<1x64xf32, #tpu.memory_space<hbm>>
      %dma_start3A_205 = arith.constant 0 : i32
      %dma_start3A_206 = tpu.memref_slice %arg2[%squeeze3A_201, %dma_start3A_205] : memref<1000000x64xf32, #tpu.memory_space<hbm>> -> memref<1x64xf32, #tpu.memory_space<hbm>>
      tpu.enqueue_dma source(%dma_start3A_206 : memref<1x64xf32, #tpu.memory_space<hbm>>) target(%dma_start3A_204 : memref<1x64xf32, #tpu.memory_space<hbm>>) target_semaphore(%arg6 : memref<!tpu.dma_semaphore, #tpu.memory_space<semaphore_mem>>)
      %mul3A_207 = arith.constant 32 : i32
      %mul3A_208 = arith.muli %scan3A_8, %mul3A_207 : i32
      %add3A_209 = arith.constant 0 : i32
      %add3A_210 = arith.addi %mul3A_208, %add3A_209 : i32
      %add3A_211 = arith.constant 15 : i32
      %add3A_212 = arith.addi %add3A_210, %add3A_211 : i32
      %slice3A_213 = vector.extract_strided_slice %get3A_14 {offsets = [15], sizes = [1], strides = [1]} : vector<16xi32> to vector<1xi32>
      %squeeze3A_214 = vector.extract %slice3A_213[0] : i32 from vector<1xi32>
      %add3A_215 = arith.addi %mul3A_2, %add3A_212 : i32
      %dma_start3A_216 = arith.constant 0 : i32
      %dma_start3A_217 = tpu.memref_slice %arg4[%add3A_215, %dma_start3A_216] : memref<16384x64xf32, #tpu.memory_space<hbm>> -> memref<1x64xf32, #tpu.memory_space<hbm>>
      %dma_start3A_218 = arith.constant 0 : i32
      %dma_start3A_219 = tpu.memref_slice %arg2[%squeeze3A_214, %dma_start3A_218] : memref<1000000x64xf32, #tpu.memory_space<hbm>> -> memref<1x64xf32, #tpu.memory_space<hbm>>
      tpu.enqueue_dma source(%dma_start3A_219 : memref<1x64xf32, #tpu.memory_space<hbm>>) target(%dma_start3A_217 : memref<1x64xf32, #tpu.memory_space<hbm>>) target_semaphore(%arg6 : memref<!tpu.dma_semaphore, #tpu.memory_space<semaphore_mem>>)
      %mul3A_220 = arith.constant 32 : i32
      %mul3A_221 = arith.muli %scan3A_8, %mul3A_220 : i32
      %add3A_222 = arith.constant 16 : i32
      %add3A_223 = arith.addi %mul3A_221, %add3A_222 : i32
      %get3A_224 = arith.index_cast %add3A_223 : i32 to index
      %get3A_225 = tpu.vector_load %arg5[%get3A_224] {strides = array<i32>} : memref<512xi32, #tpu.memory_space<vmem>>, vector<16xi32>,
      %get3A_226 = vector.shape_cast %get3A_225 : vector<16xi32> to vector<16xi32>
      %mul3A_227 = arith.constant 32 : i32
      %mul3A_228 = arith.muli %scan3A_8, %mul3A_227 : i32
      %add3A_229 = arith.constant 16 : i32
      %add3A_230 = arith.addi %mul3A_228, %add3A_229 : i32
      %add3A_231 = arith.constant 0 : i32
      %add3A_232 = arith.addi %add3A_230, %add3A_231 : i32
      %slice3A_233 = vector.extract_strided_slice %get3A_226 {offsets = [0], sizes = [1], strides = [1]} : vector<16xi32> to vector<1xi32>
      %squeeze3A_234 = vector.extract %slice3A_233[0] : i32 from vector<1xi32>
      %add3A_235 = arith.addi %mul3A_2, %add3A_232 : i32
      %dma_start3A_236 = arith.constant 0 : i32
      %dma_start3A_237 = tpu.memref_slice %arg4[%add3A_235, %dma_start3A_236] : memref<16384x64xf32, #tpu.memory_space<hbm>> -> memref<1x64xf32, #tpu.memory_space<hbm>>
      %dma_start3A_238 = arith.constant 0 : i32
      %dma_start3A_239 = tpu.memref_slice %arg2[%squeeze3A_234, %dma_start3A_238] : memref<1000000x64xf32, #tpu.memory_space<hbm>> -> memref<1x64xf32, #tpu.memory_space<hbm>>
      tpu.enqueue_dma source(%dma_start3A_239 : memref<1x64xf32, #tpu.memory_space<hbm>>) target(%dma_start3A_237 : memref<1x64xf32, #tpu.memory_space<hbm>>) target_semaphore(%arg6 : memref<!tpu.dma_semaphore, #tpu.memory_space<semaphore_mem>>)
      %mul3A_240 = arith.constant 32 : i32
      %mul3A_241 = arith.muli %scan3A_8, %mul3A_240 : i32
      %add3A_242 = arith.constant 16 : i32
      %add3A_243 = arith.addi %mul3A_241, %add3A_242 : i32
      %add3A_244 = arith.constant 1 : i32
      %add3A_245 = arith.addi %add3A_243, %add3A_244 : i32
      %slice3A_246 = vector.extract_strided_slice %get3A_226 {offsets = [1], sizes = [1], strides = [1]} : vector<16xi32> to vector<1xi32>
      %squeeze3A_247 = vector.extract %slice3A_246[0] : i32 from vector<1xi32>
      %add3A_248 = arith.addi %mul3A_2, %add3A_245 : i32
      %dma_start3A_249 = arith.constant 0 : i32
      %dma_start3A_250 = tpu.memref_slice %arg4[%add3A_248, %dma_start3A_249] : memref<16384x64xf32, #tpu.memory_space<hbm>> -> memref<1x64xf32, #tpu.memory_space<hbm>>
      %dma_start3A_251 = arith.constant 0 : i32
      %dma_start3A_252 = tpu.memref_slice %arg2[%squeeze3A_247, %dma_start3A_251] : memref<1000000x64xf32, #tpu.memory_space<hbm>> -> memref<1x64xf32, #tpu.memory_space<hbm>>
      tpu.enqueue_dma source(%dma_start3A_252 : memref<1x64xf32, #tpu.memory_space<hbm>>) target(%dma_start3A_250 : memref<1x64xf32, #tpu.memory_space<hbm>>) target_semaphore(%arg6 : memref<!tpu.dma_semaphore, #tpu.memory_space<semaphore_mem>>)
      %mul3A_253 = arith.constant 32 : i32
      %mul3A_254 = arith.muli %scan3A_8, %mul3A_253 : i32
      %add3A_255 = arith.constant 16 : i32
      %add3A_256 = arith.addi %mul3A_254, %add3A_255 : i32
      %add3A_257 = arith.constant 2 : i32
      %add3A_258 = arith.addi %add3A_256, %add3A_257 : i32
      %slice3A_259 = vector.extract_strided_slice %get3A_226 {offsets = [2], sizes = [1], strides = [1]} : vector<16xi32> to vector<1xi32>
      %squeeze3A_260 = vector.extract %slice3A_259[0] : i32 from vector<1xi32>
      %add3A_261 = arith.addi %mul3A_2, %add3A_258 : i32
      %dma_start3A_262 = arith.constant 0 : i32
      %dma_start3A_263 = tpu.memref_slice %arg4[%add3A_261, %dma_start3A_262] : memref<16384x64xf32, #tpu.memory_space<hbm>> -> memref<1x64xf32, #tpu.memory_space<hbm>>
      %dma_start3A_264 = arith.constant 0 : i32
      %dma_start3A_265 = tpu.memref_slice %arg2[%squeeze3A_260, %dma_start3A_264] : memref<1000000x64xf32, #tpu.memory_space<hbm>> -> memref<1x64xf32, #tpu.memory_space<hbm>>
      tpu.enqueue_dma source(%dma_start3A_265 : memref<1x64xf32, #tpu.memory_space<hbm>>) target(%dma_start3A_263 : memref<1x64xf32, #tpu.memory_space<hbm>>) target_semaphore(%arg6 : memref<!tpu.dma_semaphore, #tpu.memory_space<semaphore_mem>>)
      %mul3A_266 = arith.constant 32 : i32
      %mul3A_267 = arith.muli %scan3A_8, %mul3A_266 : i32
      %add3A_268 = arith.constant 16 : i32
      %add3A_269 = arith.addi %mul3A_267, %add3A_268 : i32
      %add3A_270 = arith.constant 3 : i32
      %add3A_271 = arith.addi %add3A_269, %add3A_270 : i32
      %slice3A_272 = vector.extract_strided_slice %get3A_226 {offsets = [3], sizes = [1], strides = [1]} : vector<16xi32> to vector<1xi32>
      %squeeze3A_273 = vector.extract %slice3A_272[0] : i32 from vector<1xi32>
      %add3A_274 = arith.addi %mul3A_2, %add3A_271 : i32
      %dma_start3A_275 = arith.constant 0 : i32
      %dma_start3A_276 = tpu.memref_slice %arg4[%add3A_274, %dma_start3A_275] : memref<16384x64xf32, #tpu.memory_space<hbm>> -> memref<1x64xf32, #tpu.memory_space<hbm>>
      %dma_start3A_277 = arith.constant 0 : i32
      %dma_start3A_278 = tpu.memref_slice %arg2[%squeeze3A_273, %dma_start3A_277] : memref<1000000x64xf32, #tpu.memory_space<hbm>> -> memref<1x64xf32, #tpu.memory_space<hbm>>
      tpu.enqueue_dma source(%dma_start3A_278 : memref<1x64xf32, #tpu.memory_space<hbm>>) target(%dma_start3A_276 : memref<1x64xf32, #tpu.memory_space<hbm>>) target_semaphore(%arg6 : memref<!tpu.dma_semaphore, #tpu.memory_space<semaphore_mem>>)
      %mul3A_279 = arith.constant 32 : i32
      %mul3A_280 = arith.muli %scan3A_8, %mul3A_279 : i32
      %add3A_281 = arith.constant 16 : i32
      %add3A_282 = arith.addi %mul3A_280, %add3A_281 : i32
      %add3A_283 = arith.constant 4 : i32
      %add3A_284 = arith.addi %add3A_282, %add3A_283 : i32
      %slice3A_285 = vector.extract_strided_slice %get3A_226 {offsets = [4], sizes = [1], strides = [1]} : vector<16xi32> to vector<1xi32>
      %squeeze3A_286 = vector.extract %slice3A_285[0] : i32 from vector<1xi32>
      %add3A_287 = arith.addi %mul3A_2, %add3A_284 : i32
      %dma_start3A_288 = arith.constant 0 : i32
      %dma_start3A_289 = tpu.memref_slice %arg4[%add3A_287, %dma_start3A_288] : memref<16384x64xf32, #tpu.memory_space<hbm>> -> memref<1x64xf32, #tpu.memory_space<hbm>>
      %dma_start3A_290 = arith.constant 0 : i32
      %dma_start3A_291 = tpu.memref_slice %arg2[%squeeze3A_286, %dma_start3A_290] : memref<1000000x64xf32, #tpu.memory_space<hbm>> -> memref<1x64xf32, #tpu.memory_space<hbm>>
      tpu.enqueue_dma source(%dma_start3A_291 : memref<1x64xf32, #tpu.memory_space<hbm>>) target(%dma_start3A_289 : memref<1x64xf32, #tpu.memory_space<hbm>>) target_semaphore(%arg6 : memref<!tpu.dma_semaphore, #tpu.memory_space<semaphore_mem>>)
      %mul3A_292 = arith.constant 32 : i32
      %mul3A_293 = arith.muli %scan3A_8, %mul3A_292 : i32
      %add3A_294 = arith.constant 16 : i32
      %add3A_295 = arith.addi %mul3A_293, %add3A_294 : i32
      %add3A_296 = arith.constant 5 : i32
      %add3A_297 = arith.addi %add3A_295, %add3A_296 : i32
      %slice3A_298 = vector.extract_strided_slice %get3A_226 {offsets = [5], sizes = [1], strides = [1]} : vector<16xi32> to vector<1xi32>
      %squeeze3A_299 = vector.extract %slice3A_298[0] : i32 from vector<1xi32>
      %add3A_300 = arith.addi %mul3A_2, %add3A_297 : i32
      %dma_start3A_301 = arith.constant 0 : i32
      %dma_start3A_302 = tpu.memref_slice %arg4[%add3A_300, %dma_start3A_301] : memref<16384x64xf32, #tpu.memory_space<hbm>> -> memref<1x64xf32, #tpu.memory_space<hbm>>
      %dma_start3A_303 = arith.constant 0 : i32
      %dma_start3A_304 = tpu.memref_slice %arg2[%squeeze3A_299, %dma_start3A_303] : memref<1000000x64xf32, #tpu.memory_space<hbm>> -> memref<1x64xf32, #tpu.memory_space<hbm>>
      tpu.enqueue_dma source(%dma_start3A_304 : memref<1x64xf32, #tpu.memory_space<hbm>>) target(%dma_start3A_302 : memref<1x64xf32, #tpu.memory_space<hbm>>) target_semaphore(%arg6 : memref<!tpu.dma_semaphore, #tpu.memory_space<semaphore_mem>>)
      %mul3A_305 = arith.constant 32 : i32
      %mul3A_306 = arith.muli %scan3A_8, %mul3A_305 : i32
      %add3A_307 = arith.constant 16 : i32
      %add3A_308 = arith.addi %mul3A_306, %add3A_307 : i32
      %add3A_309 = arith.constant 6 : i32
      %add3A_310 = arith.addi %add3A_308, %add3A_309 : i32
      %slice3A_311 = vector.extract_strided_slice %get3A_226 {offsets = [6], sizes = [1], strides = [1]} : vector<16xi32> to vector<1xi32>
      %squeeze3A_312 = vector.extract %slice3A_311[0] : i32 from vector<1xi32>
      %add3A_313 = arith.addi %mul3A_2, %add3A_310 : i32
      %dma_start3A_314 = arith.constant 0 : i32
      %dma_start3A_315 = tpu.memref_slice %arg4[%add3A_313, %dma_start3A_314] : memref<16384x64xf32, #tpu.memory_space<hbm>> -> memref<1x64xf32, #tpu.memory_space<hbm>>
      %dma_start3A_316 = arith.constant 0 : i32
      %dma_start3A_317 = tpu.memref_slice %arg2[%squeeze3A_312, %dma_start3A_316] : memref<1000000x64xf32, #tpu.memory_space<hbm>> -> memref<1x64xf32, #tpu.memory_space<hbm>>
      tpu.enqueue_dma source(%dma_start3A_317 : memref<1x64xf32, #tpu.memory_space<hbm>>) target(%dma_start3A_315 : memref<1x64xf32, #tpu.memory_space<hbm>>) target_semaphore(%arg6 : memref<!tpu.dma_semaphore, #tpu.memory_space<semaphore_mem>>)
      %mul3A_318 = arith.constant 32 : i32
      %mul3A_319 = arith.muli %scan3A_8, %mul3A_318 : i32
      %add3A_320 = arith.constant 16 : i32
      %add3A_321 = arith.addi %mul3A_319, %add3A_320 : i32
      %add3A_322 = arith.constant 7 : i32
      %add3A_323 = arith.addi %add3A_321, %add3A_322 : i32
      %slice3A_324 = vector.extract_strided_slice %get3A_226 {offsets = [7], sizes = [1], strides = [1]} : vector<16xi32> to vector<1xi32>
      %squeeze3A_325 = vector.extract %slice3A_324[0] : i32 from vector<1xi32>
      %add3A_326 = arith.addi %mul3A_2, %add3A_323 : i32
      %dma_start3A_327 = arith.constant 0 : i32
      %dma_start3A_328 = tpu.memref_slice %arg4[%add3A_326, %dma_start3A_327] : memref<16384x64xf32, #tpu.memory_space<hbm>> -> memref<1x64xf32, #tpu.memory_space<hbm>>
      %dma_start3A_329 = arith.constant 0 : i32
      %dma_start3A_330 = tpu.memref_slice %arg2[%squeeze3A_325, %dma_start3A_329] : memref<1000000x64xf32, #tpu.memory_space<hbm>> -> memref<1x64xf32, #tpu.memory_space<hbm>>
      tpu.enqueue_dma source(%dma_start3A_330 : memref<1x64xf32, #tpu.memory_space<hbm>>) target(%dma_start3A_328 : memref<1x64xf32, #tpu.memory_space<hbm>>) target_semaphore(%arg6 : memref<!tpu.dma_semaphore, #tpu.memory_space<semaphore_mem>>)
      %mul3A_331 = arith.constant 32 : i32
      %mul3A_332 = arith.muli %scan3A_8, %mul3A_331 : i32
      %add3A_333 = arith.constant 16 : i32
      %add3A_334 = arith.addi %mul3A_332, %add3A_333 : i32
      %add3A_335 = arith.constant 8 : i32
      %add3A_336 = arith.addi %add3A_334, %add3A_335 : i32
      %slice3A_337 = vector.extract_strided_slice %get3A_226 {offsets = [8], sizes = [1], strides = [1]} : vector<16xi32> to vector<1xi32>
      %squeeze3A_338 = vector.extract %slice3A_337[0] : i32 from vector<1xi32>
      %add3A_339 = arith.addi %mul3A_2, %add3A_336 : i32
      %dma_start3A_340 = arith.constant 0 : i32
      %dma_start3A_341 = tpu.memref_slice %arg4[%add3A_339, %dma_start3A_340] : memref<16384x64xf32, #tpu.memory_space<hbm>> -> memref<1x64xf32, #tpu.memory_space<hbm>>
      %dma_start3A_342 = arith.constant 0 : i32
      %dma_start3A_343 = tpu.memref_slice %arg2[%squeeze3A_338, %dma_start3A_342] : memref<1000000x64xf32, #tpu.memory_space<hbm>> -> memref<1x64xf32, #tpu.memory_space<hbm>>
      tpu.enqueue_dma source(%dma_start3A_343 : memref<1x64xf32, #tpu.memory_space<hbm>>) target(%dma_start3A_341 : memref<1x64xf32, #tpu.memory_space<hbm>>) target_semaphore(%arg6 : memref<!tpu.dma_semaphore, #tpu.memory_space<semaphore_mem>>)
      %mul3A_344 = arith.constant 32 : i32
      %mul3A_345 = arith.muli %scan3A_8, %mul3A_344 : i32
      %add3A_346 = arith.constant 16 : i32
      %add3A_347 = arith.addi %mul3A_345, %add3A_346 : i32
      %add3A_348 = arith.constant 9 : i32
      %add3A_349 = arith.addi %add3A_347, %add3A_348 : i32
      %slice3A_350 = vector.extract_strided_slice %get3A_226 {offsets = [9], sizes = [1], strides = [1]} : vector<16xi32> to vector<1xi32>
      %squeeze3A_351 = vector.extract %slice3A_350[0] : i32 from vector<1xi32>
      %add3A_352 = arith.addi %mul3A_2, %add3A_349 : i32
      %dma_start3A_353 = arith.constant 0 : i32
      %dma_start3A_354 = tpu.memref_slice %arg4[%add3A_352, %dma_start3A_353] : memref<16384x64xf32, #tpu.memory_space<hbm>> -> memref<1x64xf32, #tpu.memory_space<hbm>>
      %dma_start3A_355 = arith.constant 0 : i32
      %dma_start3A_356 = tpu.memref_slice %arg2[%squeeze3A_351, %dma_start3A_355] : memref<1000000x64xf32, #tpu.memory_space<hbm>> -> memref<1x64xf32, #tpu.memory_space<hbm>>
      tpu.enqueue_dma source(%dma_start3A_356 : memref<1x64xf32, #tpu.memory_space<hbm>>) target(%dma_start3A_354 : memref<1x64xf32, #tpu.memory_space<hbm>>) target_semaphore(%arg6 : memref<!tpu.dma_semaphore, #tpu.memory_space<semaphore_mem>>)
      %mul3A_357 = arith.constant 32 : i32
      %mul3A_358 = arith.muli %scan3A_8, %mul3A_357 : i32
      %add3A_359 = arith.constant 16 : i32
      %add3A_360 = arith.addi %mul3A_358, %add3A_359 : i32
      %add3A_361 = arith.constant 10 : i32
      %add3A_362 = arith.addi %add3A_360, %add3A_361 : i32
      %slice3A_363 = vector.extract_strided_slice %get3A_226 {offsets = [10], sizes = [1], strides = [1]} : vector<16xi32> to vector<1xi32>
      %squeeze3A_364 = vector.extract %slice3A_363[0] : i32 from vector<1xi32>
      %add3A_365 = arith.addi %mul3A_2, %add3A_362 : i32
      %dma_start3A_366 = arith.constant 0 : i32
      %dma_start3A_367 = tpu.memref_slice %arg4[%add3A_365, %dma_start3A_366] : memref<16384x64xf32, #tpu.memory_space<hbm>> -> memref<1x64xf32, #tpu.memory_space<hbm>>
      %dma_start3A_368 = arith.constant 0 : i32
      %dma_start3A_369 = tpu.memref_slice %arg2[%squeeze3A_364, %dma_start3A_368] : memref<1000000x64xf32, #tpu.memory_space<hbm>> -> memref<1x64xf32, #tpu.memory_space<hbm>>
      tpu.enqueue_dma source(%dma_start3A_369 : memref<1x64xf32, #tpu.memory_space<hbm>>) target(%dma_start3A_367 : memref<1x64xf32, #tpu.memory_space<hbm>>) target_semaphore(%arg6 : memref<!tpu.dma_semaphore, #tpu.memory_space<semaphore_mem>>)
      %mul3A_370 = arith.constant 32 : i32
      %mul3A_371 = arith.muli %scan3A_8, %mul3A_370 : i32
      %add3A_372 = arith.constant 16 : i32
      %add3A_373 = arith.addi %mul3A_371, %add3A_372 : i32
      %add3A_374 = arith.constant 11 : i32
      %add3A_375 = arith.addi %add3A_373, %add3A_374 : i32
      %slice3A_376 = vector.extract_strided_slice %get3A_226 {offsets = [11], sizes = [1], strides = [1]} : vector<16xi32> to vector<1xi32>
      %squeeze3A_377 = vector.extract %slice3A_376[0] : i32 from vector<1xi32>
      %add3A_378 = arith.addi %mul3A_2, %add3A_375 : i32
      %dma_start3A_379 = arith.constant 0 : i32
      %dma_start3A_380 = tpu.memref_slice %arg4[%add3A_378, %dma_start3A_379] : memref<16384x64xf32, #tpu.memory_space<hbm>> -> memref<1x64xf32, #tpu.memory_space<hbm>>
      %dma_start3A_381 = arith.constant 0 : i32
      %dma_start3A_382 = tpu.memref_slice %arg2[%squeeze3A_377, %dma_start3A_381] : memref<1000000x64xf32, #tpu.memory_space<hbm>> -> memref<1x64xf32, #tpu.memory_space<hbm>>
      tpu.enqueue_dma source(%dma_start3A_382 : memref<1x64xf32, #tpu.memory_space<hbm>>) target(%dma_start3A_380 : memref<1x64xf32, #tpu.memory_space<hbm>>) target_semaphore(%arg6 : memref<!tpu.dma_semaphore, #tpu.memory_space<semaphore_mem>>)
      %mul3A_383 = arith.constant 32 : i32
      %mul3A_384 = arith.muli %scan3A_8, %mul3A_383 : i32
      %add3A_385 = arith.constant 16 : i32
      %add3A_386 = arith.addi %mul3A_384, %add3A_385 : i32
      %add3A_387 = arith.constant 12 : i32
      %add3A_388 = arith.addi %add3A_386, %add3A_387 : i32
      %slice3A_389 = vector.extract_strided_slice %get3A_226 {offsets = [12], sizes = [1], strides = [1]} : vector<16xi32> to vector<1xi32>
      %squeeze3A_390 = vector.extract %slice3A_389[0] : i32 from vector<1xi32>
      %add3A_391 = arith.addi %mul3A_2, %add3A_388 : i32
      %dma_start3A_392 = arith.constant 0 : i32
      %dma_start3A_393 = tpu.memref_slice %arg4[%add3A_391, %dma_start3A_392] : memref<16384x64xf32, #tpu.memory_space<hbm>> -> memref<1x64xf32, #tpu.memory_space<hbm>>
      %dma_start3A_394 = arith.constant 0 : i32
      %dma_start3A_395 = tpu.memref_slice %arg2[%squeeze3A_390, %dma_start3A_394] : memref<1000000x64xf32, #tpu.memory_space<hbm>> -> memref<1x64xf32, #tpu.memory_space<hbm>>
      tpu.enqueue_dma source(%dma_start3A_395 : memref<1x64xf32, #tpu.memory_space<hbm>>) target(%dma_start3A_393 : memref<1x64xf32, #tpu.memory_space<hbm>>) target_semaphore(%arg6 : memref<!tpu.dma_semaphore, #tpu.memory_space<semaphore_mem>>)
      %mul3A_396 = arith.constant 32 : i32
      %mul3A_397 = arith.muli %scan3A_8, %mul3A_396 : i32
      %add3A_398 = arith.constant 16 : i32
      %add3A_399 = arith.addi %mul3A_397, %add3A_398 : i32
      %add3A_400 = arith.constant 13 : i32
      %add3A_401 = arith.addi %add3A_399, %add3A_400 : i32
      %slice3A_402 = vector.extract_strided_slice %get3A_226 {offsets = [13], sizes = [1], strides = [1]} : vector<16xi32> to vector<1xi32>
      %squeeze3A_403 = vector.extract %slice3A_402[0] : i32 from vector<1xi32>
      %add3A_404 = arith.addi %mul3A_2, %add3A_401 : i32
      %dma_start3A_405 = arith.constant 0 : i32
      %dma_start3A_406 = tpu.memref_slice %arg4[%add3A_404, %dma_start3A_405] : memref<16384x64xf32, #tpu.memory_space<hbm>> -> memref<1x64xf32, #tpu.memory_space<hbm>>
      %dma_start3A_407 = arith.constant 0 : i32
      %dma_start3A_408 = tpu.memref_slice %arg2[%squeeze3A_403, %dma_start3A_407] : memref<1000000x64xf32, #tpu.memory_space<hbm>> -> memref<1x64xf32, #tpu.memory_space<hbm>>
      tpu.enqueue_dma source(%dma_start3A_408 : memref<1x64xf32, #tpu.memory_space<hbm>>) target(%dma_start3A_406 : memref<1x64xf32, #tpu.memory_space<hbm>>) target_semaphore(%arg6 : memref<!tpu.dma_semaphore, #tpu.memory_space<semaphore_mem>>)
      %mul3A_409 = arith.constant 32 : i32
      %mul3A_410 = arith.muli %scan3A_8, %mul3A_409 : i32
      %add3A_411 = arith.constant 16 : i32
      %add3A_412 = arith.addi %mul3A_410, %add3A_411 : i32
      %add3A_413 = arith.constant 14 : i32
      %add3A_414 = arith.addi %add3A_412, %add3A_413 : i32
      %slice3A_415 = vector.extract_strided_slice %get3A_226 {offsets = [14], sizes = [1], strides = [1]} : vector<16xi32> to vector<1xi32>
      %squeeze3A_416 = vector.extract %slice3A_415[0] : i32 from vector<1xi32>
      %add3A_417 = arith.addi %mul3A_2, %add3A_414 : i32
      %dma_start3A_418 = arith.constant 0 : i32
      %dma_start3A_419 = tpu.memref_slice %arg4[%add3A_417, %dma_start3A_418] : memref<16384x64xf32, #tpu.memory_space<hbm>> -> memref<1x64xf32, #tpu.memory_space<hbm>>
      %dma_start3A_420 = arith.constant 0 : i32
      %dma_start3A_421 = tpu.memref_slice %arg2[%squeeze3A_416, %dma_start3A_420] : memref<1000000x64xf32, #tpu.memory_space<hbm>> -> memref<1x64xf32, #tpu.memory_space<hbm>>
      tpu.enqueue_dma source(%dma_start3A_421 : memref<1x64xf32, #tpu.memory_space<hbm>>) target(%dma_start3A_419 : memref<1x64xf32, #tpu.memory_space<hbm>>) target_semaphore(%arg6 : memref<!tpu.dma_semaphore, #tpu.memory_space<semaphore_mem>>)
      %mul3A_422 = arith.constant 32 : i32
      %mul3A_423 = arith.muli %scan3A_8, %mul3A_422 : i32
      %add3A_424 = arith.constant 16 : i32
      %add3A_425 = arith.addi %mul3A_423, %add3A_424 : i32
      %add3A_426 = arith.constant 15 : i32
      %add3A_427 = arith.addi %add3A_425, %add3A_426 : i32
      %slice3A_428 = vector.extract_strided_slice %get3A_226 {offsets = [15], sizes = [1], strides = [1]} : vector<16xi32> to vector<1xi32>
      %squeeze3A_429 = vector.extract %slice3A_428[0] : i32 from vector<1xi32>
      %add3A_430 = arith.addi %mul3A_2, %add3A_427 : i32
      %dma_start3A_431 = arith.constant 0 : i32
      %dma_start3A_432 = tpu.memref_slice %arg4[%add3A_430, %dma_start3A_431] : memref<16384x64xf32, #tpu.memory_space<hbm>> -> memref<1x64xf32, #tpu.memory_space<hbm>>
      %dma_start3A_433 = arith.constant 0 : i32
      %dma_start3A_434 = tpu.memref_slice %arg2[%squeeze3A_429, %dma_start3A_433] : memref<1000000x64xf32, #tpu.memory_space<hbm>> -> memref<1x64xf32, #tpu.memory_space<hbm>>
      tpu.enqueue_dma source(%dma_start3A_434 : memref<1x64xf32, #tpu.memory_space<hbm>>) target(%dma_start3A_432 : memref<1x64xf32, #tpu.memory_space<hbm>>) target_semaphore(%arg6 : memref<!tpu.dma_semaphore, #tpu.memory_space<semaphore_mem>>)
      %mul3A_435 = arith.constant 32 : i32
      %mul3A_436 = arith.muli %scan3A_8, %mul3A_435 : i32
      %add3A_437 = arith.addi %mul3A_2, %mul3A_436 : i32
      %dma_wait3A = arith.constant 0 : i32
      %dma_wait3A_438 = tpu.memref_slice %arg4[%add3A_437, %dma_wait3A] : memref<16384x64xf32, #tpu.memory_space<hbm>> -> memref<32x64xf32, #tpu.memory_space<hbm>>
      %dma_wait3A_439 = arith.constant 0 : i32
      %dma_wait3A_440 = arith.constant 0 : i32
      %dma_wait3A_441 = tpu.memref_slice %arg2[%dma_wait3A_439, %dma_wait3A_440] : memref<1000000x64xf32, #tpu.memory_space<hbm>> -> memref<32x64xf32, #tpu.memory_space<hbm>>
      tpu.wait_dma2 semaphore(%arg6 : memref<!tpu.dma_semaphore, #tpu.memory_space<semaphore_mem>>) src(%dma_wait3A_441 : memref<32x64xf32, #tpu.memory_space<hbm>>) dst(%dma_wait3A_438 : memref<32x64xf32, #tpu.memory_space<hbm>>)
    }
    %scan3A_7 = arith.constant 16 : i32
    return
  }
}

</mosaic_0001>

<sc_bundles>
// kernel: kernel.3.cloned.1.call-start
scs
__scs_entry_jumppad:
0x0: {  	(pc) =	sbr.rel $0x88, $3  }
0x1: {  	(tag) =	ssettag $0x0;
	lr =	simm.s32 $0x1  }
0x2: {  	[smem:$0x3F9F] =	sst lr;
	_ =	strace $0xD0000000  }
0x3: {  	_ = 	snop  }
0x4: {  	_ = 	snop  }
0x5: {  	_ = 	snop  }
0x6: {  	_ = 	snop  }
0x7: {  	_ = 	snop  }
__scs_overlays_trampoline_lowered:
0x8: {  	[smem:$0x3FAE] =	sst s0  }
0x9: {  	[smem:$0x3FAF] =	sst s1  }
0xa: {  	[smem:$0x3FB0] =	sst s2  }
0xb: {  	[smem:$0x3FB1] =	sst s3  }
0xc: {  	[smem:$0x3FB2] =	sst s4  }
0xd: {  	[smem:$0x3FB3] =	sst s5  }
0xe: {  	[smem:$0x3FB4] =	sst s6  }
0xf: {  	[smem:$0x3FB5] =	sst s7  }
0x10: {  	[smem:$0x3FB6] =	sst s8  }
0x11: {  	[smem:$0x3FB7] =	sst s9;
	s0 =	simm.s32 @!p0 $0x0  }
0x12: {  	s1 =	sld [smem:$0x3F9D];
	s0 =	simm.s32 @p0 $0x1  }
0x13: {  	[smem:$0x3FB8] =	sst s0;
	s0 =	simm.s32 @!p1 $0x0  }
0x14: {  	s2 =	sld [smem:$0x3F9C];
	s0 =	simm.s32 @p1 $0x1  }
0x15: {  	[smem:$0x3FB9] =	sst s0;
	s0 =	simm.s32 @!p2 $0x0  }
0x16: {  	s3 =	sld [smem:$0x3FDB];
	s0 =	simm.s32 @p2 $0x1  }
0x17: {  	s4 =	simm.s32 $0x1BF5;
	[smem:$0x3FBB] =	sst s0  }
0x18: {  	s0 =	sld [smem:$0x3F9E];
	_ =	swait.ge [sflag:s4], $0x0  }
0x19: {  	s7 =	sld [smem:$0x3F9F]  }
0x1a: {  	s8 =	sadd.s32 $0xFFFFE003, lr  }
0x1b: {  	s9 =	sadd.s32 $0xFFFFFEF7, lr;
	s5 =	simm.s32 $0xFFFFFFFF;
	p2 =	slt.u32 s8, $0xFFFFF086  }
0x1c: {  	p1 =	slt.u32 s9, $0xF7A;
	s5 =	simm.s32 @!p2 $0x0  }
0x1d: {  	s5 =	simm.s32 @p1 $0x1;
	p0 =	seq.s32 s7, s2  }
0x1e: {  	s7 =	smul.u32 @!p0 $0xF7A, s2;
	p2 =	seq.s32 @!p0 s5, $0x0  }
0x1f: {  	s9 =	smul.u32 $0xF7A, s1;
	s8 =	simm.s32 @!p0 $0x1BF5;
	p2 =	por !p2, p0  }
0x20: {  	[sflag:s8] =	ssyncset.s32 @!p0 $0xFFFFF086;
	s6 =	sadd.s32 @!p0 s3, s7;
	s7 =	simm.s32 @!p0 $0x108  }
0x21: {  	s3 =	sadd.s32 s3, s9;
	s6 =	sadd.s32 @!p0 $0x88, s6;
	s7 =	simm.s32 @p2 $0x1082  }
0x22: {  	[simem:s7], [sflag:s8] =	dma.local @!p0 [hbm:s6], $0xF7A  }
0x23: {  	s9 =	sor.u32 $0xD0000000, s2;
	s6 =	simm.s32 $0x108;
	_ =	swait.ge @!p0 [sflag:s8], $0x0  }
0x24: {  	s3 =	sadd.s32 $0x88, s3;
	s6 =	simm.s32 @!p1 $0x1082;
	[sflag:s4] =	ssyncset.s32 $0xFFFFF086  }
0x25: {  	[simem:s6], [sflag:s4] =	dma.local [hbm:s3], $0xF7A  }
0x26: {  	[smem:$0x3F9F] =	sst s1;
	(tag) =	ssettag s2;
	_ =	strace s9  }
0x27: {  	s1 =	sld [smem:$0x3FAF]  }
0x28: {  	s2 =	sld [smem:$0x3FB0]  }
0x29: {  	s4 =	sld [smem:$0x3FB2]  }
0x2a: {  	p0 =	seq.s32 s5, $0x0;
	s5 =	sld [smem:$0x3FB3]  }
0x2b: {  	s6 =	sld [smem:$0x3FB4]  }
0x2c: {  	s7 =	sld [smem:$0x3FB5]  }
0x2d: {  	s3 =	simm.s32 $0x108;
	s8 =	sld [smem:$0x3FB6]  }
0x2e: {  	s3 =	simm.s32 @!p0 $0x1082;
	s9 =	sld [smem:$0x3FB7]  }
0x2f: {  	lr =	sadd.s32 s0, s3;
	s0 =	sld [smem:$0x3FAE]  }
0x30: {  	s3 =	sld [smem:$0x3FB1]  }
0x31: {  	[smem:$0x3FBA] =	sst s10  }
0x32: {  	s10 =	sld [smem:$0x3FB8];
	_ =	sdelay $0x3  }
0x33: {  	p0 =	seq.s32 s10, $0x1;
	s10 =	sld [smem:$0x3FBA];
	_ =	sdelay $0x3  }
0x34: {  	[smem:$0x3FBA] =	sst s10  }
0x35: {  	s10 =	sld [smem:$0x3FB9];
	_ =	sdelay $0x3  }
0x36: {  	p1 =	seq.s32 s10, $0x1;
	s10 =	sld [smem:$0x3FBA];
	_ =	sdelay $0x3  }
0x37: {  	[smem:$0x3FBA] =	sst s10  }
0x38: {  	s10 =	sld [smem:$0x3FBB]  }
0x39: {  	_ = 	snop;
	(pc) =	sbr.ind lr, $3  }
0x3a: {  	_ = 	snop  }
0x3b: {  	_ = 	snop  }
0x3c: {  	p2 =	seq.s32 s10, $0x1;
	s10 =	sld [smem:$0x3FBA]  }
0x3d: {  	_ =	shalt  }
0x3e: {  	_ =	shalt  }
0x3f: {  	_ =	shalt  }
0x40: {  	_ =	shalt  }
0x41: {  	_ =	shalt  }
0x42: {  	_ =	shalt  }
0x43: {  	_ =	shalt  }
0x44: {  	_ =	shalt  }
0x45: {  	_ =	shalt  }
0x46: {  	_ =	shalt  }
0x47: {  	_ =	shalt  }
0x48: {  	_ =	shalt  }
0x49: {  	_ =	shalt  }
0x4a: {  	_ =	shalt  }
0x4b: {  	_ =	shalt  }
0x4c: {  	_ =	shalt  }
0x4d: {  	_ =	shalt  }
0x4e: {  	_ =	shalt  }
0x4f: {  	_ =	shalt  }
0x50: {  	_ =	shalt  }
0x51: {  	_ =	shalt  }
0x52: {  	_ =	shalt  }
0x53: {  	_ =	shalt  }
0x54: {  	_ =	shalt  }
0x55: {  	_ =	shalt  }
0x56: {  	_ =	shalt  }
0x57: {  	_ =	shalt  }
0x58: {  	_ =	shalt  }
0x59: {  	_ =	shalt  }
0x5a: {  	_ =	shalt  }
0x5b: {  	_ =	shalt  }
0x5c: {  	_ =	shalt  }
0x5d: {  	_ =	shalt  }
0x5e: {  	_ =	shalt  }
0x5f: {  	_ =	shalt  }
0x60: {  	_ =	shalt  }
0x61: {  	_ =	shalt  }
0x62: {  	_ =	shalt  }
0x63: {  	_ =	shalt  }
0x64: {  	_ =	shalt  }
0x65: {  	_ =	shalt  }
0x66: {  	_ =	shalt  }
0x67: {  	_ =	shalt  }
0x68: {  	_ =	shalt  }
0x69: {  	_ =	shalt  }
0x6a: {  	_ =	shalt  }
0x6b: {  	_ =	shalt  }
0x6c: {  	_ =	shalt  }
0x6d: {  	_ =	shalt  }
0x6e: {  	_ =	shalt  }
0x6f: {  	_ =	shalt  }
0x70: {  	_ =	shalt  }
0x71: {  	_ =	shalt  }
0x72: {  	_ =	shalt  }
0x73: {  	_ =	shalt  }
0x74: {  	_ =	shalt  }
0x75: {  	_ =	shalt  }
0x76: {  	_ =	shalt  }
0x77: {  	_ =	shalt  }
0x78: {  	_ =	shalt  }
0x79: {  	_ =	shalt  }
0x7a: {  	_ =	shalt  }
0x7b: {  	_ =	shalt  }
0x7c: {  	_ =	shalt  }
0x7d: {  	_ =	shalt  }
0x7e: {  	_ =	shalt  }
0x7f: {  	_ =	shalt  }
0x80: {  	_ =	shalt  }
0x81: {  	_ =	shalt  }
0x82: {  	_ =	shalt  }
0x83: {  	_ =	shalt  }
0x84: {  	_ =	shalt  }
0x85: {  	_ =	shalt  }
0x86: {  	_ =	shalt  }
0x87: {  	_ =	shalt  }
.Lfunc_end0:
.L_simem_size_0:
called_computation_lowered:
.L_overlay_start_0:
0x88: {  	s2 =	sld [smem:$0x3FD9]  }
0x89: {  	s3 =	sld [smem:$0x3FFE];
	_ =	sdelay $0x1  }
0x8a: {  	s1 =	srdreg.scid  }
0x8b: {  	s0 =	sand.u32 $0x1, s1  }
0x8c: {  	s17 =	sshll.u32 s0, $0xA;
	s2 =	sadd.s32 s3, s2  }
0x8d: {  	s2 =	sadd.s32 s2, s17  }
0x8e: {  	[smem:$0x3FC6] =	sst s2  }
0x8f: {  	_ = 	snop  }
0x90: {  	s2 =	sld [smem:$0x3FC8];
	(tm) =	ssettm $0x1  }
0x91: {  	s18 =	sld [smem:$0x3FFB];
	_ =	sdelay $0x3  }
0x92: {  	_ =	strace s18  }
0x93: {  	s3 =	sld [smem:$0x3FFC];
	_ =	sdelay $0x3  }
0x94: {  	_ =	strace s3  }
0x95: {  	s3 =	sld [smem:$0x3FFD];
	_ =	sdelay $0x3  }
0x96: {  	_ =	strace s3  }
0x97: {  	_ =	strace $0x8FFFFFFF  }
0x98: {  	s19 =	sld [smem:$0x3FDB];
	_ =	sdelay $0x1  }
0x99: {  	s4 =	simm.s32 $_scs_section_size  }
0x9a: {  	s5 =	simm.s32 $_size__tile_overlayer_lowered;
	s6 =	simm.s32 $_tile_overlayer_lowered  }
0x9b: {  	s22 =	simm.s32 $0x1BFF;
	s21 =	sshll.u32 s6, $0x1;
	s3 =	sadd.s32 s4, s19  }
0x9c: {  	s7 =	simm.s32 $0x0;
	s20 =	sshll.u32 s5, $0x1;
	s5 =	sadd.s32 s21, s3  }
0x9d: {  	[timem:s7], [sflag:s22] =	dma.local [hbm:s5], s20  }
0x9e: {  	_ =	swait.ge [sflag:s22], s20  }
0x9f: {  	s4 =	ssub.s32 $0x0, s20;
	[sflag:s22] =	ssyncset.done $0x0  }
0xa0: {  	[sflag:s22] =	ssyncadd.s32 s4;
	_ =	sdelay $0x1  }
0xa1: {  	s23 =	simm.s32 $0x1B8B  }
0xa2: {  	_ =	swait.ge [sflag:s23], $0x1  }
0xa3: {  	[sflag:s23] =	ssyncset.done $0x0  }
0xa4: {  	s25 =	simm.s32 $0x1B8E;
	s24 =	sld [smem:$0x3FFE];
	[sflag:s23] =	ssyncadd.s32 $0xFFFFFFFF  }
0xa5: {  	s26 =	simm.s32 $execute0_lowered;
	[smem:$0x3FD2] =	sst s25  }
0xa6: {  	s5 =	sshll.u32 s26, $0x1;
	_ =	strace $0x80000046;
	[dreg:$0x1] =	wrdreg $0xFFFFFFFF  }
0xa7: {  	s28 =	simm.s32 $_size_execute0_lowered;
	s3 =	sadd.s32 s3, s5;
	[dreg:$0x0] =	wrdreg $0x0  }
0xa8: {  	s5 =	sshll.u32 s28, $0x1;
	[dreg:$0x2] =	wrdreg s3  }
0xa9: {  	[dreg:$0x3] =	wrdreg s5  }
0xaa: {  	[dreg:$0x4] =	wrdreg $0xC0  }
0xab: {  	_ =	task [dreg:s7], $0x5FFFF  }
0xac: {  	[dreg:$0x1] =	wrdreg $0xFFFFFFFF  }
0xad: {  	[dreg:$0x0] =	wrdreg $0x60  }
0xae: {  	[dreg:$0x2] =	wrdreg s24  }
0xaf: {  	[dreg:$0x3] =	wrdreg s2  }
0xb0: {  	[dreg:$0x4] =	wrdreg $0x9  }
0xb1: {  	_ =	task.clear_ibuf [dreg:s7], $0x5FFFF;
	_ =	strace $0x90000046  }
0xb2: {  	s29 =	simm.s32 $0x9;
	_ =	strace $0x80000048  }
0xb3: {  	_ =	swait.ge [sflag:s29], $0x1  }
0xb4: {  	[sflag:s29] =	ssyncadd.s32 $0xFFFFFFFF  }
0xb5: {  	_ =	strace $0x90000048  }
0xb6: {  	_ =	sfence  }
0xb7: {  	s30 =	sld [smem:$0x0];
	_ =	sdelay $0x2  }
0xb8: {  	s31 =	sshll.u32 s1, $0xD;
	s1 =	sshrl.u32 s1, $0x2  }
0xb9: {  	s3 =	sand.u32 $0x4000, s31;
	s1 =	sadd.s32 s1, s30  }
0xba: {  	s0 =	sor.u32 s3, s0;
	s1 =	sshll.u32 s1, $0x11  }
0xbb: {  	s0 =	sor.u32 s1, s0  }
0xbc: {  	s0 =	sadd.s32 $0x8F2B, s0  }
0xbd: {  	[sflag:s0] =	ssyncadd.remote.s32 $0x1  }
0xbe: {  	_ =	sfence.sel $0xFFFF  }
0xbf: {  	[dreg:$0x0] =	wrdreg $0xFFFFFFFF;
	(pc) =	sbr.abs _section_cstart, $3  }
0xc0: {  	[dreg:$0x1] =	wrdreg $0xFFFFFFFF  }
0xc1: {  	_ =	task.clear_ibuf [dreg:s7], $0x2FFFF;
	_ =	strace $0x9FFFFFFF  }
0xc2: {  	(tm) =	ssettm $0x7FFFFFFF  }
0xc3: {  	_ =	shalt  }
tec
execute0_lowered:
.L_overlay_start_1:
0x0: {  	(tag) =	ssettag $0x1  }
0x1: {  	s4 =	rddreg [dreg:$0x0]  }
0x2: {  	s5 =	rddreg [dreg:$0x1]  }
0x3: {  	s0 =	simm.s32 $0x0;
	s26 =	stileid.u32;
	s7 =	srdreg.scid  }
0x4: {  	[smem:$0x7FF] =	sst s0;
	s6 =	sshll.u32 s26, $0xE;
	s3 =	sadd.s32 $0x400, s4  }
0x5: {  	s28 =	sand.u32 $0x1, s7;
	s8 =	sshll.u32 s26, $0xA;
	_ =	strace $0x80000047  }
0x6: {  	s4 =	sadd.s32 s6, s4;
	s9 =	sshll.u32 s28, $0x9;
	s6 =	sshll.u32 s28, $0xD  }
0x7: {  	s7 =	ssub.s32 $0x2, s28;
	s8 =	sor.u32 s9, s8;
	s6 =	sadd.s32 s6, s4  }
0x8: {  	s29 =	sshrl.u32 s7, $0x1;
	s8 =	sshrl.u32 s8, $0x3;
	s6 =	sadd.s32 $0xF42800, s6  }
0x9: {  	s7 =	ssub.s32 s7, s29;
	s1 =	sadd.s32 s5, s8;
	[dreg:$0x3] =	wrdreg s6  }
0xa: {  	s31 =	sshll.u32 s26, $0x6;
	s30 =	smax.u32 s7, $0x1;
	[dreg:$0xa] =	wrdreg s1  }
0xb: {  	s7 =	sor.u32 $0x1C01, s31;
	[dreg:$0xb] =	wrdreg s30;
	s1 =	simm.s32 $0x0  }
.LBB2_1:
0xc: {  	[dreg:$0xc] =	wrdreg s1  }
0xd: {  	s0 =	simm.s32 $0x0;
	s26 =	rddreg [dreg:$0xa];
	s28 =	simm.s32 $0x2  }
0xe: {  	[tilespmem:s0], [sflag:$0x2] =	stream.linear.gather [hbm4b:s26+s0], $0x200, $0x38;
	[tilespmem:$0x200] =	vst v63  }
0xf: {  	_ =	swait.ge [sflag:s28], $0x200  }
0x10: {  	[sflag:s28] =	ssyncset.done $0x0  }
0x11: {  	s0 =	simm.s32 $0x10;
	[sflag:s28] =	ssyncadd.s32 $0xFFFFFE00  }
0x12: {  	v0 =	vld [tilespmem:s0+$0xFFFFFFF0];
	_ =	sdelay $0x4  }
0x13: {  	v0 =	vshll.u32 v0, $0x4  }
0x14: {  	(v2sf) =	vpush v0, $0x4  }
0x15: {  	(v2sf) =	vpush v0, $0x3  }
0x16: {  	(v2sf) =	vpush v0, $0x0  }
0x17: {  	(v2sf) =	vpush v0, $0x5  }
0x18: {  	(v2sf) =	vpush v0, $0x6  }
0x19: {  	(v2sf) =	vpush v0, $0x7  }
0x1a: {  	(v2sf) =	vpush v0, $0x8  }
0x1b: {  	(v2sf) =	vpush v0, $0x9  }
0x1c: {  	(v2sf) =	vpush v0, $0xA  }
0x1d: {  	(v2sf) =	vpush v0, $0xB  }
0x1e: {  	(v2sf) =	vpush v0, $0xC  }
0x1f: {  	(v2sf) =	vpush v0, $0xD  }
0x20: {  	(v2sf) =	vpush v0, $0xE  }
0x21: {  	(v2sf) =	vpush v0, $0xF  }
0x22: {  	(v2sf) =	vpush v0, $0x1  }
0x23: {  	s13 =	spop (v2sf);
	(v2sf) =	vpush v0, $0x2  }
0x24: {  	s14 =	spop (v2sf)  }
0x25: {  	s15 =	spop (v2sf)  }
0x26: {  	s16 =	spop (v2sf)  }
0x27: {  	s17 =	spop (v2sf)  }
0x28: {  	s18 =	spop (v2sf)  }
0x29: {  	s19 =	spop (v2sf)  }
0x2a: {  	s20 =	spop (v2sf)  }
0x2b: {  	s10 =	rddreg [dreg:$0x3];
	s21 =	spop (v2sf)  }
0x2c: {  	s10 =	sadd.s32 $0x0, s10;
	s22 =	spop (v2sf)  }
0x2d: {  	s29 =	sadd.s32 $0x10, s10;
	s23 =	spop (v2sf)  }
0x2e: {  	s31 =	sadd.s32 $0x20, s10;
	s1 =	sadd.s32 $0x30, s10;
	s24 =	spop (v2sf)  }
0x2f: {  	s2 =	sadd.s32 $0x40, s10;
	s5 =	sadd.s32 $0x50, s10;
	s25 =	spop (v2sf)  }
0x30: {  	s8 =	sadd.s32 $0x60, s10;
	s13 =	sand.u32 $0x1FFFFFF0, s13;
	s12 =	spop (v2sf)  }
0x31: {  	s14 =	sand.u32 $0x1FFFFFF0, s14;
	s15 =	sand.u32 $0x1FFFFFF0, s15;
	s26 =	spop (v2sf)  }
0x32: {  	s15 =	sadd.s32 s3, s15;
	s26 =	sand.u32 $0x1FFFFFF0, s26;
	s28 =	spop (v2sf)  }
0x33: {  	[hbm:s10], [sflag:s7] =	dma.local [hbm:s15], $0x10  }
0x34: {  	s13 =	sadd.s32 s3, s13;
	s26 =	sadd.s32 s3, s26;
	s30 =	sand.u32 $0x1FFFFFF0, s28  }
0x35: {  	[hbm:s29], [sflag:s7] =	dma.local [hbm:s26], $0x10  }
0x36: {  	s14 =	sadd.s32 s3, s14;
	s4 =	sand.u32 $0x1FFFFFF0, s16;
	s15 =	sadd.s32 s3, s30  }
0x37: {  	[hbm:s31], [sflag:s7] =	dma.local [hbm:s15], $0x10  }
0x38: {  	[hbm:s1], [sflag:s7] =	dma.local [hbm:s14], $0x10  }
0x39: {  	[hbm:s2], [sflag:s7] =	dma.local [hbm:s13], $0x10  }
0x3a: {  	s11 =	sadd.s32 $0x70, s10;
	s6 =	sand.u32 $0x1FFFFFF0, s17;
	s13 =	sadd.s32 s3, s4  }
0x3b: {  	[hbm:s5], [sflag:s7] =	dma.local [hbm:s13], $0x10  }
0x3c: {  	s17 =	sadd.s32 $0x90, s10;
	s9 =	sand.u32 $0x1FFFFFF0, s18;
	s13 =	sadd.s32 s3, s6  }
0x3d: {  	[hbm:s8], [sflag:s7] =	dma.local [hbm:s13], $0x10  }
0x3e: {  	s16 =	sand.u32 $0x1FFFFFF0, s20;
	s14 =	sand.u32 $0x1FFFFFF0, s19;
	s13 =	sadd.s32 s3, s9  }
0x3f: {  	[hbm:s11], [sflag:s7] =	dma.local [hbm:s13], $0x10  }
0x40: {  	s18 =	sand.u32 $0x1FFFFFF0, s21;
	s15 =	sadd.s32 $0x80, s10;
	s13 =	sadd.s32 s3, s14  }
0x41: {  	[hbm:s15], [sflag:s7] =	dma.local [hbm:s13], $0x10  }
0x42: {  	s21 =	sadd.s32 $0xB0, s10;
	s20 =	sand.u32 $0x1FFFFFF0, s22;
	s13 =	sadd.s32 s3, s16  }
0x43: {  	[hbm:s17], [sflag:s7] =	dma.local [hbm:s13], $0x10  }
0x44: {  	s22 =	sand.u32 $0x1FFFFFF0, s23;
	s19 =	sadd.s32 $0xA0, s10;
	s13 =	sadd.s32 s3, s18  }
0x45: {  	[hbm:s19], [sflag:s7] =	dma.local [hbm:s13], $0x10  }
0x46: {  	s23 =	sadd.s32 $0xC0, s10;
	s12 =	sand.u32 $0x1FFFFFF0, s12;
	s13 =	sadd.s32 s3, s20  }
0x47: {  	[hbm:s21], [sflag:s7] =	dma.local [hbm:s13], $0x10  }
0x48: {  	s12 =	sadd.s32 s3, s12;
	s26 =	sand.u32 $0x1FFFFFF0, s24;
	s13 =	sadd.s32 s3, s22  }
0x49: {  	[hbm:s23], [sflag:s7] =	dma.local [hbm:s13], $0x10  }
0x4a: {  	s28 =	sadd.s32 $0xD0, s10;
	s29 =	sand.u32 $0x1FFFFFF0, s25;
	s13 =	sadd.s32 s3, s26  }
0x4b: {  	[hbm:s28], [sflag:s7] =	dma.local [hbm:s13], $0x10  }
0x4c: {  	s30 =	sadd.s32 $0xE0, s10;
	s31 =	sadd.s32 $0xF0, s10;
	s13 =	sadd.s32 s3, s29  }
0x4d: {  	[hbm:s30], [sflag:s7] =	dma.local [hbm:s13], $0x10  }
0x4e: {  	[hbm:s31], [sflag:s7] =	dma.local [hbm:s12], $0x10  }
0x4f: {  	s1 =	simm.s32 $0x200;
	v0 =	vld [tilespmem:s0+$0x0]  }
.LBB2_2:
0x50: {  	_ =	sdelay $0x3  }
0x51: {  	v0 =	vshll.u32 v0, $0x4  }
0x52: {  	(v2sf) =	vpush v0, $0x0  }
0x53: {  	(v2sf) =	vpush v0, $0x6  }
0x54: {  	(v2sf) =	vpush v0, $0x2;
	_ =	sdelay $0x1  }
0x55: {  	(v2sf) =	vpush v0, $0x3  }
0x56: {  	(v2sf) =	vpush v0, $0x4  }
0x57: {  	(v2sf) =	vpush v0, $0x5  }
0x58: {  	(v2sf) =	vpush v0, $0x7  }
0x59: {  	(v2sf) =	vpush v0, $0x8  }
0x5a: {  	(v2sf) =	vpush v0, $0x9  }
0x5b: {  	(v2sf) =	vpush v0, $0xA  }
0x5c: {  	(v2sf) =	vpush v0, $0xB  }
0x5d: {  	p0 =	sne.s32 s1, $0x1E00;
	(v2sf) =	vpush v0, $0xC  }
0x5e: {  	s0 =	sadd.s32 $0x20, s0;
	s18 =	smov.u32 s1;
	s9 =	sadd.s32 $0x200, s1;
	(v2sf) =	vpush v0, $0xD  }
0x5f: {  	s11 =	sadd.s32 $0x1D0, s10;
	s17 =	sadd.s32 $0x100, s10;
	s29 =	sadd.s32 $0x160, s10;
	(v2sf) =	vpush v0, $0xE  }
0x60: {  	s31 =	sadd.s32 $0x150, s10;
	[dreg:$0x4] =	wrdreg s0;
	s15 =	spop (v2sf);
	(v2sf) =	vpush v0, $0xF  }
0x61: {  	[dreg:$0x5] =	wrdreg s9;
	s16 =	sand.u32 $0x1FFFFFF0, s15;
	(v2sf) =	vpush v0, $0x1;
	s14 =	spop (v2sf)  }
0x62: {  	[dreg:$0x8] =	wrdreg s11;
	s16 =	sadd.s32 s3, s16;
	s19 =	spop (v2sf)  }
0x63: {  	[hbm:s17], [sflag:s7] =	dma.local [hbm:s16], $0x10  }
0x64: {  	s1 =	sadd.s32 $0x140, s10;
	s4 =	sadd.s32 $0x130, s10;
	s17 =	spop (v2sf)  }
0x65: {  	s6 =	sadd.s32 $0x120, s10;
	s8 =	sadd.s32 $0x110, s10;
	s12 =	spop (v2sf)  }
0x66: {  	s15 =	sadd.s32 $0x1C0, s10;
	s22 =	sand.u32 $0x1FFFFFF0, s19;
	s20 =	spop (v2sf)  }
0x67: {  	s16 =	sadd.s32 $0x1B0, s10;
	s19 =	sadd.s32 $0x190, s10;
	s21 =	spop (v2sf)  }
0x68: {  	s22 =	sadd.s32 s3, s22;
	s23 =	sand.u32 $0x1FFFFFF0, s17;
	s28 =	spop (v2sf)  }
0x69: {  	s17 =	sadd.s32 $0x1A0, s10;
	s24 =	sand.u32 $0x1FFFFFF0, s12;
	s30 =	spop (v2sf)  }
0x6a: {  	s23 =	sadd.s32 s3, s23;
	s25 =	sand.u32 $0x1FFFFFF0, s20;
	s13 =	spop (v2sf)  }
0x6b: {  	s20 =	sadd.s32 $0x180, s10;
	s24 =	sadd.s32 s3, s24;
	s2 =	spop (v2sf)  }
0x6c: {  	s26 =	sand.u32 $0x1FFFFFF0, s21;
	s21 =	sadd.s32 $0x170, s10;
	s5 =	spop (v2sf)  }
0x6d: {  	s28 =	sand.u32 $0x1FFFFFF0, s28;
	s30 =	sand.u32 $0x1FFFFFF0, s30;
	s9 =	spop (v2sf)  }
0x6e: {  	s0 =	sand.u32 $0x1FFFFFF0, s13;
	s30 =	sadd.s32 s3, s30;
	s11 =	spop (v2sf)  }
0x6f: {  	s2 =	sand.u32 $0x1FFFFFF0, s2;
	s0 =	sadd.s32 s3, s0;
	s12 =	spop (v2sf)  }
0x70: {  	s5 =	sand.u32 $0x1FFFFFF0, s5;
	s2 =	sadd.s32 s3, s2;
	s13 =	spop (v2sf)  }
0x71: {  	s9 =	sand.u32 $0x1FFFFFF0, s9;
	s5 =	sadd.s32 s3, s5;
	s13 =	sand.u32 $0x1FFFFFF0, s13  }
0x72: {  	s9 =	sadd.s32 s3, s9;
	s11 =	sand.u32 $0x1FFFFFF0, s11;
	s13 =	sadd.s32 s3, s13  }
0x73: {  	[hbm:s8], [sflag:s7] =	dma.local [hbm:s13], $0x10  }
0x74: {  	[hbm:s6], [sflag:s7] =	dma.local [hbm:s22], $0x10  }
0x75: {  	[hbm:s4], [sflag:s7] =	dma.local [hbm:s23], $0x10  }
0x76: {  	[hbm:s1], [sflag:s7] =	dma.local [hbm:s24], $0x10  }
0x77: {  	s13 =	sadd.s32 s3, s26;
	s24 =	sadd.s32 s3, s25;
	s25 =	sand.u32 $0x1FFFFFF0, s14  }
0x78: {  	[hbm:s31], [sflag:s7] =	dma.local [hbm:s24], $0x10  }
0x79: {  	s23 =	sadd.s32 $0x1F0, s10;
	s14 =	sadd.s32 s3, s28;
	s8 =	sadd.s32 s3, s25  }
0x7a: {  	[hbm:s29], [sflag:s7] =	dma.local [hbm:s8], $0x10  }
0x7b: {  	[hbm:s21], [sflag:s7] =	dma.local [hbm:s13], $0x10  }
0x7c: {  	[hbm:s20], [sflag:s7] =	dma.local [hbm:s14], $0x10  }
0x7d: {  	s24 =	simm.s32 $0x1;
	s21 =	sand.u32 $0x1FFFFFF0, s12;
	s20 =	sadd.s32 $0x1E0, s10  }
0x7e: {  	[hbm:s19], [sflag:s7] =	dma.local [hbm:s30], $0x10  }
0x7f: {  	[hbm:s17], [sflag:s7] =	dma.local [hbm:s0], $0x10  }
0x80: {  	[hbm:s16], [sflag:s7] =	dma.local [hbm:s2], $0x10  }
0x81: {  	[hbm:s15], [sflag:s7] =	dma.local [hbm:s5], $0x10  }
0x82: {  	s22 =	sadd.s32 s3, s21;
	s19 =	sadd.s32 s3, s11;
	s17 =	rddreg [dreg:$0x8]  }
0x83: {  	[hbm:s17], [sflag:s7] =	dma.local [hbm:s9], $0x10  }
0x84: {  	[hbm:s20], [sflag:s7] =	dma.local [hbm:s19], $0x10  }
0x85: {  	[hbm:s23], [sflag:s7] =	dma.local [hbm:s22], $0x10  }
0x86: {  	_ =	swait.ge [sflag:s24], $0x200  }
0x87: {  	[sflag:s24] =	ssyncset.done $0x0  }
0x88: {  	s26 =	rddreg [dreg:$0x4];
	[sflag:s24] =	ssyncadd.s32 $0xFFFFFE00  }
0x89: {  	v0 =	vld [tilespmem:s26+$0xFFFFFFF0];
	_ =	sdelay $0x4  }
0x8a: {  	v0 =	vshll.u32 v0, $0x4  }
0x8b: {  	(v2sf) =	vpush v0, $0x4  }
0x8c: {  	(v2sf) =	vpush v0, $0x3  }
0x8d: {  	(v2sf) =	vpush v0, $0x0  }
0x8e: {  	(v2sf) =	vpush v0, $0x5  }
0x8f: {  	(v2sf) =	vpush v0, $0x6  }
0x90: {  	(v2sf) =	vpush v0, $0x7  }
0x91: {  	(v2sf) =	vpush v0, $0x8  }
0x92: {  	(v2sf) =	vpush v0, $0x9  }
0x93: {  	(v2sf) =	vpush v0, $0xA  }
0x94: {  	(v2sf) =	vpush v0, $0xB  }
0x95: {  	(v2sf) =	vpush v0, $0xC  }
0x96: {  	s25 =	rddreg [dreg:$0x3];
	(v2sf) =	vpush v0, $0xD  }
0x97: {  	s10 =	sadd.s32 s18, s25;
	(v2sf) =	vpush v0, $0xE  }
0x98: {  	s19 =	sadd.s32 $0x10, s10;
	(v2sf) =	vpush v0, $0xF  }
0x99: {  	s0 =	sadd.s32 $0x50, s10;
	s20 =	sadd.s32 $0x30, s10;
	s28 =	sadd.s32 $0xF0, s10;
	(v2sf) =	vpush v0, $0x1  }
0x9a: {  	s22 =	sadd.s32 $0x20, s10;
	s16 =	sadd.s32 $0x90, s10;
	s30 =	spop (v2sf);
	(v2sf) =	vpush v0, $0x2  }
0x9b: {  	s29 =	sadd.s32 $0xC0, s10;
	s23 =	sadd.s32 $0x40, s10;
	s31 =	spop (v2sf)  }
0x9c: {  	s21 =	sadd.s32 $0x80, s10;
	[dreg:$0x9] =	wrdreg s0;
	s0 =	spop (v2sf)  }
0x9d: {  	s15 =	sadd.s32 $0xA0, s10;
	s24 =	sadd.s32 $0x60, s10;
	s1 =	spop (v2sf)  }
0x9e: {  	s17 =	sadd.s32 $0xD0, s10;
	[dreg:$0x6] =	wrdreg s28;
	s8 =	spop (v2sf)  }
0x9f: {  	s25 =	sadd.s32 $0x70, s10;
	[dreg:$0x7] =	wrdreg s29;
	s11 =	spop (v2sf)  }
0xa0: {  	s2 =	sand.u32 $0x1FFFFFF0, s30;
	s4 =	sand.u32 $0x1FFFFFF0, s31;
	s12 =	spop (v2sf)  }
0xa1: {  	s28 =	sadd.s32 s3, s2;
	s5 =	sand.u32 $0x1FFFFFF0, s0;
	s13 =	spop (v2sf)  }
0xa2: {  	s26 =	sadd.s32 s3, s4;
	s6 =	sand.u32 $0x1FFFFFF0, s1;
	s14 =	spop (v2sf)  }
0xa3: {  	s5 =	sadd.s32 s3, s5;
	s29 =	sadd.s32 s3, s6;
	s18 =	spop (v2sf)  }
0xa4: {  	s9 =	sand.u32 $0x1FFFFFF0, s8;
	s4 =	sand.u32 $0x1FFFFFF0, s11;
	s30 =	spop (v2sf)  }
0xa5: {  	s2 =	sadd.s32 s3, s9;
	s4 =	sadd.s32 s3, s4;
	s31 =	spop (v2sf)  }
0xa6: {  	s6 =	sand.u32 $0x1FFFFFF0, s12;
	s8 =	sand.u32 $0x1FFFFFF0, s13;
	s0 =	spop (v2sf)  }
0xa7: {  	s9 =	sand.u32 $0x1FFFFFF0, s14;
	s11 =	sand.u32 $0x1FFFFFF0, s18;
	s1 =	spop (v2sf)  }
0xa8: {  	s12 =	sand.u32 $0x1FFFFFF0, s30;
	s13 =	sand.u32 $0x1FFFFFF0, s31;
	s14 =	spop (v2sf)  }
0xa9: {  	s30 =	sand.u32 $0x1FFFFFF0, s0;
	s0 =	sand.u32 $0x1FFFFFF0, s14;
	s18 =	spop (v2sf)  }
0xaa: {  	s31 =	sand.u32 $0x1FFFFFF0, s1;
	s0 =	sadd.s32 s3, s0;
	s1 =	sand.u32 $0x1FFFFFF0, s18  }
0xab: {  	[hbm:s10], [sflag:s7] =	dma.local [hbm:s5], $0x10  }
0xac: {  	[hbm:s19], [sflag:s7] =	dma.local [hbm:s0], $0x10  }
0xad: {  	s6 =	sadd.s32 s3, s6;
	s1 =	sadd.s32 s3, s1;
	s0 =	rddreg [dreg:$0x4]  }
0xae: {  	[hbm:s22], [sflag:s7] =	dma.local [hbm:s1], $0x10  }
0xaf: {  	s8 =	sadd.s32 s3, s8;
	s9 =	sadd.s32 s3, s9;
	s1 =	rddreg [dreg:$0x5]  }
0xb0: {  	[hbm:s20], [sflag:s7] =	dma.local [hbm:s26], $0x10  }
0xb1: {  	[hbm:s23], [sflag:s7] =	dma.local [hbm:s28], $0x10  }
0xb2: {  	s11 =	sadd.s32 s3, s11;
	s14 =	sadd.s32 $0xB0, s10;
	s28 =	rddreg [dreg:$0x9]  }
0xb3: {  	[hbm:s28], [sflag:s7] =	dma.local [hbm:s29], $0x10  }
0xb4: {  	[hbm:s24], [sflag:s7] =	dma.local [hbm:s2], $0x10  }
0xb5: {  	[hbm:s25], [sflag:s7] =	dma.local [hbm:s4], $0x10  }
0xb6: {  	[hbm:s21], [sflag:s7] =	dma.local [hbm:s6], $0x10  }
0xb7: {  	[hbm:s16], [sflag:s7] =	dma.local [hbm:s8], $0x10  }
0xb8: {  	[hbm:s15], [sflag:s7] =	dma.local [hbm:s9], $0x10  }
0xb9: {  	[hbm:s14], [sflag:s7] =	dma.local [hbm:s11], $0x10  }
0xba: {  	s12 =	sadd.s32 s3, s12;
	s13 =	sadd.s32 s3, s13;
	s29 =	rddreg [dreg:$0x7]  }
0xbb: {  	[hbm:s29], [sflag:s7] =	dma.local [hbm:s12], $0x10  }
0xbc: {  	[hbm:s17], [sflag:s7] =	dma.local [hbm:s13], $0x10  }
.Ltmp0:
0xbd: {  	s30 =	sadd.s32 s3, s30;
	s18 =	sadd.s32 $0xE0, s10;
	(pc) =	sbr.rel @p0 .LBB2_2-.Ltmp0, $4  }
0xbe: {  	[hbm:s18], [sflag:s7] =	dma.local [hbm:s30], $0x10  }
0xbf: {  	s31 =	sadd.s32 s3, s31;
	s30 =	rddreg [dreg:$0x6]  }
0xc0: {  	[hbm:s30], [sflag:s7] =	dma.local [hbm:s31], $0x10  }
0xc1: {  	v0 =	vld [tilespmem:s0+$0x0]  }
0xc2: {  	_ =	sdelay $0x3  }
0xc3: {  	v0 =	vshll.u32 v0, $0x4  }
0xc4: {  	(v2sf) =	vpush v0, $0x0  }
0xc5: {  	(v2sf) =	vpush v0, $0x6  }
0xc6: {  	(v2sf) =	vpush v0, $0x2;
	_ =	sdelay $0x1  }
0xc7: {  	(v2sf) =	vpush v0, $0x3  }
0xc8: {  	(v2sf) =	vpush v0, $0x4  }
0xc9: {  	(v2sf) =	vpush v0, $0x5  }
0xca: {  	(v2sf) =	vpush v0, $0x7  }
0xcb: {  	(v2sf) =	vpush v0, $0x8  }
0xcc: {  	(v2sf) =	vpush v0, $0x9  }
0xcd: {  	(v2sf) =	vpush v0, $0xA  }
0xce: {  	(v2sf) =	vpush v0, $0xB  }
0xcf: {  	(v2sf) =	vpush v0, $0xC  }
0xd0: {  	(v2sf) =	vpush v0, $0xD  }
0xd1: {  	(v2sf) =	vpush v0, $0xE  }
0xd2: {  	s0 =	spop (v2sf);
	(v2sf) =	vpush v0, $0xF  }
0xd3: {  	s0 =	sand.u32 $0x1FFFFFF0, s0;
	(v2sf) =	vpush v0, $0x1;
	s1 =	spop (v2sf)  }
0xd4: {  	s2 =	sadd.s32 $0x100, s10;
	s0 =	sadd.s32 s3, s0;
	s4 =	spop (v2sf)  }
0xd5: {  	[hbm:s2], [sflag:s7] =	dma.local [hbm:s0], $0x10  }
0xd6: {  	s0 =	spop (v2sf)  }
0xd7: {  	s2 =	spop (v2sf)  }
0xd8: {  	s5 =	spop (v2sf)  }
0xd9: {  	s6 =	spop (v2sf)  }
0xda: {  	s8 =	spop (v2sf)  }
0xdb: {  	s9 =	spop (v2sf)  }
0xdc: {  	s11 =	spop (v2sf)  }
0xdd: {  	s12 =	spop (v2sf)  }
0xde: {  	s13 =	spop (v2sf)  }
0xdf: {  	s14 =	spop (v2sf)  }
0xe0: {  	s15 =	spop (v2sf)  }
0xe1: {  	s18 =	sadd.s32 $0x110, s10;
	s23 =	sadd.s32 $0x120, s10;
	s16 =	spop (v2sf)  }
0xe2: {  	s24 =	sadd.s32 $0x130, s10;
	s4 =	sand.u32 $0x1FFFFFF0, s4;
	s17 =	spop (v2sf)  }
0xe3: {  	s4 =	sadd.s32 s3, s4;
	s0 =	sand.u32 $0x1FFFFFF0, s0;
	s17 =	sand.u32 $0x1FFFFFF0, s17  }
0xe4: {  	s0 =	sadd.s32 s3, s0;
	s25 =	sand.u32 $0x1FFFFFF0, s2;
	s17 =	sadd.s32 s3, s17  }
0xe5: {  	[hbm:s18], [sflag:s7] =	dma.local [hbm:s17], $0x10  }
0xe6: {  	[hbm:s23], [sflag:s7] =	dma.local [hbm:s4], $0x10  }
0xe7: {  	[hbm:s24], [sflag:s7] =	dma.local [hbm:s0], $0x10  }
0xe8: {  	s26 =	sadd.s32 $0x140, s10;
	s28 =	sand.u32 $0x1FFFFFF0, s5;
	s0 =	sadd.s32 s3, s25  }
0xe9: {  	[hbm:s26], [sflag:s7] =	dma.local [hbm:s0], $0x10  }
0xea: {  	s29 =	sadd.s32 $0x150, s10;
	s30 =	sand.u32 $0x1FFFFFF0, s1;
	s0 =	sadd.s32 s3, s28  }
0xeb: {  	[hbm:s29], [sflag:s7] =	dma.local [hbm:s0], $0x10  }
0xec: {  	s31 =	sadd.s32 $0x160, s10;
	s2 =	sand.u32 $0x1FFFFFF0, s6;
	s0 =	sadd.s32 s3, s30  }
0xed: {  	[hbm:s31], [sflag:s7] =	dma.local [hbm:s0], $0x10  }
0xee: {  	s5 =	sand.u32 $0x1FFFFFF0, s8;
	s4 =	sadd.s32 $0x170, s10;
	s0 =	sadd.s32 s3, s2  }
0xef: {  	[hbm:s4], [sflag:s7] =	dma.local [hbm:s0], $0x10  }
0xf0: {  	s6 =	sadd.s32 $0x180, s10;
	s8 =	sand.u32 $0x1FFFFFF0, s9;
	s0 =	sadd.s32 s3, s5  }
0xf1: {  	[hbm:s6], [sflag:s7] =	dma.local [hbm:s0], $0x10  }
0xf2: {  	s9 =	sadd.s32 $0x190, s10;
	s11 =	sand.u32 $0x1FFFFFF0, s11;
	s0 =	sadd.s32 s3, s8  }
0xf3: {  	[hbm:s9], [sflag:s7] =	dma.local [hbm:s0], $0x10  }
0xf4: {  	s17 =	sadd.s32 $0x1A0, s10;
	s18 =	sand.u32 $0x1FFFFFF0, s12;
	s0 =	sadd.s32 s3, s11  }
0xf5: {  	[hbm:s17], [sflag:s7] =	dma.local [hbm:s0], $0x10  }
0xf6: {  	s19 =	sadd.s32 $0x1B0, s10;
	s20 =	sand.u32 $0x1FFFFFF0, s13;
	s0 =	sadd.s32 s3, s18  }
0xf7: {  	[hbm:s19], [sflag:s7] =	dma.local [hbm:s0], $0x10  }
0xf8: {  	s21 =	sadd.s32 $0x1C0, s10;
	s22 =	sand.u32 $0x1FFFFFF0, s14;
	s0 =	sadd.s32 s3, s20  }
0xf9: {  	[hbm:s21], [sflag:s7] =	dma.local [hbm:s0], $0x10  }
0xfa: {  	s23 =	sadd.s32 $0x1D0, s10;
	s24 =	sand.u32 $0x1FFFFFF0, s15;
	s0 =	sadd.s32 s3, s22  }
0xfb: {  	[hbm:s23], [sflag:s7] =	dma.local [hbm:s0], $0x10  }
0xfc: {  	s25 =	sadd.s32 $0x1E0, s10;
	s26 =	sand.u32 $0x1FFFFFF0, s16;
	s0 =	sadd.s32 s3, s24  }
0xfd: {  	[hbm:s25], [sflag:s7] =	dma.local [hbm:s0], $0x10  }
0xfe: {  	s28 =	sadd.s32 $0x1F0, s10;
	s29 =	simm.s32 $0x1;
	s0 =	sadd.s32 s3, s26  }
0xff: {  	[hbm:s28], [sflag:s7] =	dma.local [hbm:s0], $0x10  }
0x100: {  	_ =	swait.ge [sflag:s29], $0x200  }
0x101: {  	s30 =	rddreg [dreg:$0xc]  }
0x102: {  	s31 =	rddreg [dreg:$0xb];
	s1 =	sadd.s32 $0x1, s30  }
0x103: {  	p0 =	sne.s32 s1, s31  }
.Ltmp1:
0x104: {  	_ = 	snop;
	(pc) =	sbr.rel @p0 .LBB2_1-.Ltmp1, $3  }
0x105: {  	_ =	sdelay $0x1  }
0x106: {  	[sflag:s29] =	ssyncset.done $0x0  }
0x107: {  	[sflag:s29] =	ssyncadd.s32 $0xFFFFFE00  }
0x108: {  	_ =	sfence.sel $0x180000  }
0x109: {  	[bflag:$0x0] =	sbarrier.arrive $0xFFFF  }
0x10a: {  	_ =	strace $0x90000047  }
0x10b: {  	s0 =	stileid.u32;
	[bflag:$0x2] =	sbarrier.arrive $0xFFFF  }
0x10c: {  	p0 =	sne.s32 s0, $0x0;
	s0 =	rddreg [dreg:$0x2]  }
0x10d: {  	s0 =	sadd.s32 @!p0 $0x100000, s0  }
0x10e: {  	[sflag:s0] =	ssyncadd.tile.s32 @!p0 $0x1;
	_ =	shalt  }
.Lfunc_end2:
_tile_overlayer_lowered:
.L_overlay_start_2:
0x10f: {  	(tag) =	ssettag $0x2  }
0x110: {  	s0 =	rddreg [dreg:$0x0];
	s2 =	stileid.u32  }
0x111: {  	s1 =	rddreg [dreg:$0x1];
	p0 =	sne.s32 s2, $0x0  }
0x112: {  	s3 =	rddreg [dreg:$0x2];
	[bflag:$0x3] =	sbarrier.arrive $0xFFFF;
	s2 =	simm.s32 @!p0 $0x1C02  }
0x113: {  	[timem:s3], [sflag:s2] =	dma.local @!p0 [hbm:s0], s1  }
0x114: {  	s0 =	simm.s32 @!p0 $0x2  }
0x115: {  	_ =	swait.ge @!p0 [sflag:s0], s1  }
0x116: {  	s1 =	ssub.s32 @!p0 $0x0, s1;
	[sflag:s0] =	ssyncset.done @!p0 $0x0  }
0x117: {  	[sflag:s0] =	ssyncadd.s32 @!p0 s1  }
0x118: {  	[bflag:$0x3] =	sbarrier.arrive $0xFFFF  }
0x119: {  	_ =	shalt  }

</sc_bundles>
